<compile_context>
chip_gen: v7x
topology: tpu7x:2x2x1
jax: 0.10.2.dev20260603
libtpu: 0.0.44.dev20260713+nightly
codegen_flags: <defaults>
</compile_context>

<pallas_src>
import dataclasses
import functools

import jax
import jax.numpy as jnp
from jax import lax
from jax.experimental import pallas as pl
from jax.experimental.pallas import tpu as pltpu
from jax.experimental.pallas import tpu_sc as plsc

N = 10000
E = 320000
D = 128
NPAD = 10240
RPS = NPAD // 16
CH = 128
CW = 80
SL = 16
NS = CW // SL
NW = 32
EPAD = NW * CW * CH

_mesh = plsc.VectorSubcoreMesh(core_axis_name="c", subcore_axis_name="s")

_no_layout = pltpu.CompilerParams()
if "needs_layout_passes" in pltpu.CompilerParams.__dataclass_fields__:
    _no_layout = dataclasses.replace(_no_layout, needs_layout_passes=False)


@functools.partial(
    pl.kernel,
    out_type=[
        jax.ShapeDtypeStruct((2, 16, NPAD), jnp.float32),
        jax.ShapeDtypeStruct((2, 16, NPAD), jnp.float32),
    ],
    mesh=_mesh,
    scratch_types=[
        pltpu.VMEM((CW, CH), jnp.int32),
        pltpu.VMEM((CW, CH), jnp.int32),
        pltpu.VMEM((NPAD,), jnp.float32),
        pltpu.VMEM((NPAD,), jnp.float32),
    ],
    compiler_params=_no_layout,
)
def _deg_kernel(src_hbm, dst_hbm, dsrc_out, ddst_out, sbuf, dbuf, hs, hd):
    c = lax.axis_index("c")
    s = lax.axis_index("s")
    w = c * 16 + s
    pltpu.sync_copy(src_hbm.at[pl.ds(w * CW, CW)], sbuf)
    pltpu.sync_copy(dst_hbm.at[pl.ds(w * CW, CW)], dbuf)
    zeros = jnp.zeros((16,), jnp.float32)

    @pl.loop(0, NPAD // 16)
    def _(i):
        hs[pl.ds(i * 16, 16)] = zeros
        hd[pl.ds(i * 16, 16)] = zeros

    ones = jnp.ones((16,), jnp.float32)

    @pl.loop(0, CW)
    def _(j):
        for k in range(CH // 16):
            plsc.addupdate_scatter(hs, [sbuf[j, pl.ds(k * 16, 16)]], ones)
            plsc.addupdate_scatter(hd, [dbuf[j, pl.ds(k * 16, 16)]], ones)

    pltpu.sync_copy(hs, dsrc_out.at[c, s])
    pltpu.sync_copy(hd, ddst_out.at[c, s])


@functools.partial(
    pl.kernel,
    out_type=jax.ShapeDtypeStruct((2, NPAD, D), jnp.float32),
    mesh=_mesh,
    scratch_types=[
        pltpu.VMEM((2, SL, CH), jnp.int32),
        pltpu.VMEM((2, SL, CH), jnp.int32),
        pltpu.VMEM((CH, D), jnp.float32),
        pltpu.VMEM((CH, D), jnp.float32),
        pltpu.VMEM_SHARED((NPAD, D), jnp.float32),
        pltpu.SemaphoreType.DMA,
        pltpu.SemaphoreType.DMA,
        pltpu.SemaphoreType.DMA,
    ],
)
def _agg_kernel(h_hbm, src_hbm, dst_hbm, zeros_hbm,
                acc_out, sidx, didx, r0, r1, acc_sh, sem0, sem1, isem):
    c = lax.axis_index("c")
    s = lax.axis_index("s")
    w = c * 16 + s
    base = w * CW
    pltpu.sync_copy(zeros_hbm, acc_sh.at[pl.ds(s * RPS, RPS)])
    pltpu.sync_copy(src_hbm.at[pl.ds(base, SL)], sidx.at[0])
    pltpu.sync_copy(dst_hbm.at[pl.ds(base, SL)], didx.at[0])
    plsc.subcore_barrier()

    pltpu.async_copy(h_hbm.at[sidx.at[0, 0]], r0, sem0)

    @pl.loop(0, NS)
    def _(rs):
        rb = lax.rem(rs, 2)
        nxt = base + (rs + 1) * SL

        @pl.when(rs + 1 < NS)
        def _():
            pltpu.async_copy(src_hbm.at[pl.ds(nxt, SL)], sidx.at[1 - rb], isem)
            pltpu.async_copy(dst_hbm.at[pl.ds(nxt, SL)], didx.at[1 - rb], isem)

        @pl.loop(0, SL // 2)
        def _(t):
            g = t * 2
            pltpu.make_async_copy(h_hbm.at[sidx.at[rb, g]], r0, sem0).wait()
            pltpu.async_copy(h_hbm.at[sidx.at[rb, g + 1]], r1, sem1)
            pltpu.sync_copy(r0, acc_sh.at[didx.at[rb, g]], add=True)
            pltpu.make_async_copy(h_hbm.at[sidx.at[rb, g + 1]], r1, sem1).wait()

            @pl.when(g + 2 < SL)
            def _():
                pltpu.async_copy(h_hbm.at[sidx.at[rb, g + 2]], r0, sem0)

            pltpu.sync_copy(r1, acc_sh.at[didx.at[rb, g + 1]], add=True)

        @pl.when(rs + 1 < NS)
        def _():
            pltpu.make_async_copy(src_hbm.at[pl.ds(nxt, SL)],
                                  sidx.at[1 - rb], isem).wait()
            pltpu.make_async_copy(dst_hbm.at[pl.ds(nxt, SL)],
                                  didx.at[1 - rb], isem).wait()
            pltpu.async_copy(h_hbm.at[sidx.at[1 - rb, 0]], r0, sem0)

    plsc.subcore_barrier()
    pltpu.sync_copy(acc_sh.at[pl.ds(s * RPS, RPS)],
                    acc_out.at[c, pl.ds(s * RPS, RPS)])


def _prep_body(feat_ref, dsrc_ref, ddst_ref, h1_ref, no_ref, ni_ref):
    dsrc = jnp.sum(dsrc_ref[...], axis=(0, 1))[:, None]
    ddst = jnp.sum(ddst_ref[...], axis=(0, 1))[:, None]
    no = jnp.where(dsrc > 0, lax.rsqrt(jnp.maximum(dsrc, 1.0)), 0.0)
    ni = jnp.where(ddst > 0, lax.rsqrt(jnp.maximum(ddst, 1.0)), 0.0)
    no_ref[...] = no
    ni_ref[...] = ni
    h1_ref[...] = feat_ref[...] * no


def _mid_body(acc_ref, ni_ref, no_ref, w_ref, b_ref, out_ref):
    agg = (acc_ref[0] + acc_ref[1]) * ni_ref[...]
    o = jnp.dot(agg, w_ref[...], preferred_element_type=jnp.float32) + b_ref[...]
    out_ref[...] = jnp.maximum(o, 0.0) * no_ref[...]


def _final_body(acc_ref, ni_ref, w_ref, b_ref, out_ref):
    agg = (acc_ref[0] + acc_ref[1]) * ni_ref[...]
    out_ref[...] = (
        jnp.dot(agg, w_ref[...], preferred_element_type=jnp.float32) + b_ref[...]
    )


_BP = 2048
_BF = 2000

_prep_call = pl.pallas_call(
    _prep_body,
    grid=(NPAD // _BP,),
    in_specs=[
        pl.BlockSpec((_BP, D), lambda i: (i, 0)),
        pl.BlockSpec((2, 16, _BP), lambda i: (0, 0, i)),
        pl.BlockSpec((2, 16, _BP), lambda i: (0, 0, i)),
    ],
    out_specs=[
        pl.BlockSpec((_BP, D), lambda i: (i, 0)),
        pl.BlockSpec((_BP, 1), lambda i: (i, 0)),
        pl.BlockSpec((_BP, 1), lambda i: (i, 0)),
    ],
    out_shape=[
        jax.ShapeDtypeStruct((NPAD, D), jnp.float32),
        jax.ShapeDtypeStruct((NPAD, 1), jnp.float32),
        jax.ShapeDtypeStruct((NPAD, 1), jnp.float32),
    ],
)

_mid_call = pl.pallas_call(
    _mid_body,
    grid=(NPAD // _BP,),
    in_specs=[
        pl.BlockSpec((2, _BP, D), lambda i: (0, i, 0)),
        pl.BlockSpec((_BP, 1), lambda i: (i, 0)),
        pl.BlockSpec((_BP, 1), lambda i: (i, 0)),
        pl.BlockSpec((D, D), lambda i: (0, 0)),
        pl.BlockSpec((1, D), lambda i: (0, 0)),
    ],
    out_specs=pl.BlockSpec((_BP, D), lambda i: (i, 0)),
    out_shape=jax.ShapeDtypeStruct((NPAD, D), jnp.float32),
)

_final_call = pl.pallas_call(
    _final_body,
    grid=(N // _BF,),
    in_specs=[
        pl.BlockSpec((2, _BF, D), lambda i: (0, i, 0)),
        pl.BlockSpec((_BF, 1), lambda i: (i, 0)),
        pl.BlockSpec((D, D), lambda i: (0, 0)),
        pl.BlockSpec((1, D), lambda i: (0, 0)),
    ],
    out_specs=pl.BlockSpec((_BF, D), lambda i: (i, 0)),
    out_shape=jax.ShapeDtypeStruct((N, D), jnp.float32),
)


def kernel(features, edge_index, W1, b1, W2, b2):
    edge_index = edge_index.astype(jnp.int32)
    pad = jnp.full((EPAD - E,), N, jnp.int32)
    src2d = jnp.concatenate([edge_index[0], pad]).reshape(NW * CW, CH)
    dst2d = jnp.concatenate([edge_index[1], pad]).reshape(NW * CW, CH)
    feat_pad = jnp.pad(features, ((0, NPAD - N), (0, 0)))
    zeros128 = jnp.zeros((RPS, D), jnp.float32)

    dsrc_p, ddst_p = _deg_kernel(src2d, dst2d)
    h1, norm_out, norm_in = _prep_call(feat_pad, dsrc_p, ddst_p)
    acc1 = _agg_kernel(h1, src2d, dst2d, zeros128)
    h2 = _mid_call(acc1, norm_in, norm_out, W1, b1.reshape(1, D))
    acc2 = _agg_kernel(h2, src2d, dst2d, zeros128)
    return _final_call(acc2, norm_in, W2, b2.reshape(1, D))

# --- scband reference (transcript-rebuilt; emitter-appended) ---
"""Pipeline reference for scband-gcn-52381421142171 (READ-ONLY COPY).

The authoritative reference and input builder live on the scoring server;
editing this copy changes nothing except your own understanding.
"""

import jax, jax.numpy as jnp
import numpy as np

N = 10000
E = 320000
D_IN = 128
D_HID = 128
D_OUT = 128


def setup_inputs(seed: int = 0) -> dict:
    key = jax.random.key(seed)
    k1, k2, k3, k4, k5, k6 = jax.random.split(key, 6)
    features = jax.random.normal(k1, (N, D_IN), dtype=jnp.float32)
    edge_index = jax.random.randint(k2, (2, E), 0, N)
    # Learned parameters for 2 GraphConv layers (DGL GraphConv: weight [in, out], bias [out])
    W1 = jax.random.normal(k3, (D_IN, D_HID), dtype=jnp.float32) * (1.0 / np.sqrt(D_IN))
    b1 = jnp.zeros((D_HID,), dtype=jnp.float32)
    W2 = jax.random.normal(k4, (D_HID, D_OUT), dtype=jnp.float32) * (1.0 / np.sqrt(D_HID))
    b2 = jnp.zeros((D_OUT,), dtype=jnp.float32)
    return {"features": features, "edge_index": edge_index, "W1": W1, "b1": b1, "W2": W2, "b2": b2}


def _gcn_layer(h, src, dst, W, b, apply_act):
    # DGL GraphConv with norm='both' (symmetric normalization):
    # h_out = D_in^{-1/2} A D_out^{-1/2} h W + b
    ones = jnp.ones((src.shape[0],), dtype=h.dtype)
    deg_out = jnp.zeros((N,), dtype=h.dtype).at[src].add(ones)
    deg_in = jnp.zeros((N,), dtype=h.dtype).at[dst].add(ones)
    norm_out = jnp.where(deg_out > 0, jax.lax.rsqrt(jnp.maximum(deg_out, 1.0)), 0.0)
    norm_in = jnp.where(deg_in > 0, jax.lax.rsqrt(jnp.maximum(deg_in, 1.0)), 0.0)
    h = h * norm_out[:, None]
    # message passing: gather on src, scatter-add on dst
    msgs = jnp.take(h, src, axis=0)
    agg = jnp.zeros((N, h.shape[1]), dtype=h.dtype).at[dst].add(msgs)
    agg = agg * norm_in[:, None]
    out = agg @ W + b
    if apply_act:
        out = jax.nn.relu(out)
    return out


def reference(features, edge_index, W1, b1, W2, b2):
    src = edge_index[0]
    dst = edge_index[1]
    # layer 0: GraphConv(in, hid) with relu activation
    h = _gcn_layer(features, src, dst, W1, b1, True)
    # dropout(p=0.0) is identity in eval / with p=0
    # last layer: GraphConv(hid, out), no activation
    h = _gcn_layer(h, src, dst, W2, b2, False)
    return h

if __name__ == "__main__":
    import jax
    _d = setup_inputs()
    print(jax.jit(kernel)(*tuple(_d.values())))

</pallas_src>

<mosaic_0001>
#map = affine_map<(d0, d1) -> (0, 0)>
#map1 = affine_map<(d0, d1) -> (0, 0, 0)>
module attributes {stable_mosaic.version = 14 : i64} {
  func.func @_agg_kernel(%arg0: i32, %arg1: i32, %arg2: memref<10240x128xf32, #tpu.memory_space<hbm>>, %arg3: memref<2560x128xi32, #tpu.memory_space<hbm>>, %arg4: memref<2560x128xi32, #tpu.memory_space<hbm>>, %arg5: memref<640x128xf32, #tpu.memory_space<hbm>>, %arg6: memref<2x10240x128xf32, #tpu.memory_space<hbm>>, %arg7: memref<2x16x128xi32, #tpu.memory_space<vmem>>, %arg8: memref<2x16x128xi32, #tpu.memory_space<vmem>>, %arg9: memref<128x128xf32, #tpu.memory_space<vmem>>, %arg10: memref<128x128xf32, #tpu.memory_space<vmem>>, %arg11: memref<10240x128xf32, #tpu.memory_space<vmem_shared>>, %arg12: memref<!tpu.dma_semaphore, #tpu.memory_space<semaphore_mem>>, %arg13: memref<!tpu.dma_semaphore, #tpu.memory_space<semaphore_mem>>, %arg14: memref<!tpu.dma_semaphore, #tpu.memory_space<semaphore_mem>>) attributes {dimension_semantics = [#tpu.dimension_semantics<core_parallel>, #tpu.dimension_semantics<subcore_parallel>], iteration_bounds = array<i64: 2, 16>, scalar_prefetch = 0 : i64, scratch_operands = 8 : i64, tpu.core_type = #tpu.core_type<sc_vector_subcore>, window_params = [{transform_indices = #map}, {transform_indices = #map}, {transform_indices = #map}, {transform_indices = #map}, {transform_indices = #map1}]} {
    %mul3A = arith.constant 16 : i32
    %mul3A_0 = arith.muli %arg0, %mul3A : i32
    %add3A = arith.addi %mul3A_0, %arg1 : i32
    %mul3A_1 = arith.constant 80 : i32
    %mul3A_2 = arith.muli %add3A, %mul3A_1 : i32
    %mul3A_3 = arith.constant 640 : i32
    %mul3A_4 = arith.muli %arg1, %mul3A_3 : i32
    "tpu.region"() ({
      %run_scoped3A_22 = tpu.sem_alloc : memref<!tpu.dma_semaphore, #tpu.memory_space<semaphore_mem>>
      %dma_start3A_23 = arith.constant 0 : i32
      %dma_start3A_24 = tpu.memref_slice %arg11[%mul3A_4, %dma_start3A_23] : memref<10240x128xf32, #tpu.memory_space<vmem_shared>> -> memref<640x128xf32, #tpu.memory_space<vmem_shared>>
      tpu.enqueue_dma source(%arg5 : memref<640x128xf32, #tpu.memory_space<hbm>>) target(%dma_start3A_24 : memref<640x128xf32, #tpu.memory_space<vmem_shared>>) target_semaphore(%run_scoped3A_22 : memref<!tpu.dma_semaphore, #tpu.memory_space<semaphore_mem>>)
      %dma_wait3A = arith.constant 0 : i32
      %dma_wait3A_25 = tpu.memref_slice %arg11[%mul3A_4, %dma_wait3A] : memref<10240x128xf32, #tpu.memory_space<vmem_shared>> -> memref<640x128xf32, #tpu.memory_space<vmem_shared>>
      tpu.wait_dma2 semaphore(%run_scoped3A_22 : memref<!tpu.dma_semaphore, #tpu.memory_space<semaphore_mem>>) src(%arg5 : memref<640x128xf32, #tpu.memory_space<hbm>>) dst(%dma_wait3A_25 : memref<640x128xf32, #tpu.memory_space<vmem_shared>>)
      tpu.yield
    }) : () -> ()
    %run_scoped3A = arith.constant 0 : i32
    "tpu.region"() ({
      %run_scoped3A_22 = tpu.sem_alloc : memref<!tpu.dma_semaphore, #tpu.memory_space<semaphore_mem>>
      %dma_start3A_23 = arith.constant 0 : i32
      %dma_start3A_24 = arith.constant 0 : i32
      %dma_start3A_25 = tpu.memref_slice %arg7[%run_scoped3A, %dma_start3A_23, %dma_start3A_24] : memref<2x16x128xi32, #tpu.memory_space<vmem>> -> memref<1x16x128xi32, #tpu.memory_space<vmem>>
      %dma_start3A_26 = tpu.memref_squeeze %dma_start3A_25 : memref<1x16x128xi32, #tpu.memory_space<vmem>> -> memref<16x128xi32, #tpu.memory_space<vmem>>
      %dma_start3A_27 = arith.constant 0 : i32
      %dma_start3A_28 = tpu.memref_slice %arg3[%mul3A_2, %dma_start3A_27] : memref<2560x128xi32, #tpu.memory_space<hbm>> -> memref<16x128xi32, #tpu.memory_space<hbm>>
      %dma_start3A_29 = arith.constant 0 : i32
      %dma_start3A_30 = arith.constant 0 : i32
      %dma_start3A_31 = tpu.memref_slice %arg7[%run_scoped3A, %dma_start3A_29, %dma_start3A_30] : memref<2x16x128xi32, #tpu.memory_space<vmem>> -> memref<1x16x128xi32, #tpu.memory_space<vmem>>
      %dma_start3A_32 = tpu.memref_squeeze %dma_start3A_31 : memref<1x16x128xi32, #tpu.memory_space<vmem>> -> memref<16x128xi32, #tpu.memory_space<vmem>>
      %dma_start3A_33 = arith.constant 0 : i32
      %dma_start3A_34 = tpu.memref_slice %arg3[%mul3A_2, %dma_start3A_33] : memref<2560x128xi32, #tpu.memory_space<hbm>> -> memref<16x128xi32, #tpu.memory_space<hbm>>
      tpu.enqueue_dma source(%dma_start3A_34 : memref<16x128xi32, #tpu.memory_space<hbm>>) target(%dma_start3A_32 : memref<16x128xi32, #tpu.memory_space<vmem>>) target_semaphore(%run_scoped3A_22 : memref<!tpu.dma_semaphore, #tpu.memory_space<semaphore_mem>>)
      %dma_wait3A = arith.constant 0 : i32
      %dma_wait3A_35 = arith.constant 0 : i32
      %dma_wait3A_36 = tpu.memref_slice %arg7[%run_scoped3A, %dma_wait3A, %dma_wait3A_35] : memref<2x16x128xi32, #tpu.memory_space<vmem>> -> memref<1x16x128xi32, #tpu.memory_space<vmem>>
      %dma_wait3A_37 = tpu.memref_squeeze %dma_wait3A_36 : memref<1x16x128xi32, #tpu.memory_space<vmem>> -> memref<16x128xi32, #tpu.memory_space<vmem>>
      %dma_wait3A_38 = arith.constant 0 : i32
      %dma_wait3A_39 = tpu.memref_slice %arg3[%mul3A_2, %dma_wait3A_38] : memref<2560x128xi32, #tpu.memory_space<hbm>> -> memref<16x128xi32, #tpu.memory_space<hbm>>
      %dma_wait3A_40 = arith.constant 0 : i32
      %dma_wait3A_41 = arith.constant 0 : i32
      %dma_wait3A_42 = tpu.memref_slice %arg7[%run_scoped3A, %dma_wait3A_40, %dma_wait3A_41] : memref<2x16x128xi32, #tpu.memory_space<vmem>> -> memref<1x16x128xi32, #tpu.memory_space<vmem>>
      %dma_wait3A_43 = tpu.memref_squeeze %dma_wait3A_42 : memref<1x16x128xi32, #tpu.memory_space<vmem>> -> memref<16x128xi32, #tpu.memory_space<vmem>>
      %dma_wait3A_44 = arith.constant 0 : i32
      %dma_wait3A_45 = tpu.memref_slice %arg3[%mul3A_2, %dma_wait3A_44] : memref<2560x128xi32, #tpu.memory_space<hbm>> -> memref<16x128xi32, #tpu.memory_space<hbm>>
      tpu.wait_dma2 semaphore(%run_scoped3A_22 : memref<!tpu.dma_semaphore, #tpu.memory_space<semaphore_mem>>) src(%dma_wait3A_45 : memref<16x128xi32, #tpu.memory_space<hbm>>) dst(%dma_wait3A_43 : memref<16x128xi32, #tpu.memory_space<vmem>>)
      tpu.yield
    }) : () -> ()
    %run_scoped3A_5 = arith.constant 0 : i32
    "tpu.region"() ({
      %run_scoped3A_22 = tpu.sem_alloc : memref<!tpu.dma_semaphore, #tpu.memory_space<semaphore_mem>>
      %dma_start3A_23 = arith.constant 0 : i32
      %dma_start3A_24 = arith.constant 0 : i32
      %dma_start3A_25 = tpu.memref_slice %arg8[%run_scoped3A_5, %dma_start3A_23, %dma_start3A_24] : memref<2x16x128xi32, #tpu.memory_space<vmem>> -> memref<1x16x128xi32, #tpu.memory_space<vmem>>
      %dma_start3A_26 = tpu.memref_squeeze %dma_start3A_25 : memref<1x16x128xi32, #tpu.memory_space<vmem>> -> memref<16x128xi32, #tpu.memory_space<vmem>>
      %dma_start3A_27 = arith.constant 0 : i32
      %dma_start3A_28 = tpu.memref_slice %arg4[%mul3A_2, %dma_start3A_27] : memref<2560x128xi32, #tpu.memory_space<hbm>> -> memref<16x128xi32, #tpu.memory_space<hbm>>
      %dma_start3A_29 = arith.constant 0 : i32
      %dma_start3A_30 = arith.constant 0 : i32
      %dma_start3A_31 = tpu.memref_slice %arg8[%run_scoped3A_5, %dma_start3A_29, %dma_start3A_30] : memref<2x16x128xi32, #tpu.memory_space<vmem>> -> memref<1x16x128xi32, #tpu.memory_space<vmem>>
      %dma_start3A_32 = tpu.memref_squeeze %dma_start3A_31 : memref<1x16x128xi32, #tpu.memory_space<vmem>> -> memref<16x128xi32, #tpu.memory_space<vmem>>
      %dma_start3A_33 = arith.constant 0 : i32
      %dma_start3A_34 = tpu.memref_slice %arg4[%mul3A_2, %dma_start3A_33] : memref<2560x128xi32, #tpu.memory_space<hbm>> -> memref<16x128xi32, #tpu.memory_space<hbm>>
      tpu.enqueue_dma source(%dma_start3A_34 : memref<16x128xi32, #tpu.memory_space<hbm>>) target(%dma_start3A_32 : memref<16x128xi32, #tpu.memory_space<vmem>>) target_semaphore(%run_scoped3A_22 : memref<!tpu.dma_semaphore, #tpu.memory_space<semaphore_mem>>)
      %dma_wait3A = arith.constant 0 : i32
      %dma_wait3A_35 = arith.constant 0 : i32
      %dma_wait3A_36 = tpu.memref_slice %arg8[%run_scoped3A_5, %dma_wait3A, %dma_wait3A_35] : memref<2x16x128xi32, #tpu.memory_space<vmem>> -> memref<1x16x128xi32, #tpu.memory_space<vmem>>
      %dma_wait3A_37 = tpu.memref_squeeze %dma_wait3A_36 : memref<1x16x128xi32, #tpu.memory_space<vmem>> -> memref<16x128xi32, #tpu.memory_space<vmem>>
      %dma_wait3A_38 = arith.constant 0 : i32
      %dma_wait3A_39 = tpu.memref_slice %arg4[%mul3A_2, %dma_wait3A_38] : memref<2560x128xi32, #tpu.memory_space<hbm>> -> memref<16x128xi32, #tpu.memory_space<hbm>>
      %dma_wait3A_40 = arith.constant 0 : i32
      %dma_wait3A_41 = arith.constant 0 : i32
      %dma_wait3A_42 = tpu.memref_slice %arg8[%run_scoped3A_5, %dma_wait3A_40, %dma_wait3A_41] : memref<2x16x128xi32, #tpu.memory_space<vmem>> -> memref<1x16x128xi32, #tpu.memory_space<vmem>>
      %dma_wait3A_43 = tpu.memref_squeeze %dma_wait3A_42 : memref<1x16x128xi32, #tpu.memory_space<vmem>> -> memref<16x128xi32, #tpu.memory_space<vmem>>
      %dma_wait3A_44 = arith.constant 0 : i32
      %dma_wait3A_45 = tpu.memref_slice %arg4[%mul3A_2, %dma_wait3A_44] : memref<2560x128xi32, #tpu.memory_space<hbm>> -> memref<16x128xi32, #tpu.memory_space<hbm>>
      tpu.wait_dma2 semaphore(%run_scoped3A_22 : memref<!tpu.dma_semaphore, #tpu.memory_space<semaphore_mem>>) src(%dma_wait3A_45 : memref<16x128xi32, #tpu.memory_space<hbm>>) dst(%dma_wait3A_43 : memref<16x128xi32, #tpu.memory_space<vmem>>)
      tpu.yield
    }) : () -> ()
    %barrier3A = arith.constant 0 : index
    tpu.barrier barrier_id(%barrier3A)
    %dma_start3A = arith.constant 0 : i32
    %dma_start3A_6 = arith.constant 0 : i32
    %dma_start3A_7 = arith.constant 0 : i32
    %dma_start3A_8 = tpu.memref_slice %arg7[%dma_start3A, %dma_start3A_6, %dma_start3A_7] : memref<2x16x128xi32, #tpu.memory_space<vmem>> -> memref<1x1x128xi32, #tpu.memory_space<vmem>>
    %dma_start3A_9 = tpu.memref_squeeze %dma_start3A_8 : memref<1x1x128xi32, #tpu.memory_space<vmem>> -> memref<128xi32, #tpu.memory_space<vmem>>
    %dma_start3A_10 = arith.constant 0 : i32
    %dma_start3A_11 = arith.constant 0 : i32
    %dma_start3A_12 = tpu.memref_slice %arg2[%dma_start3A_10, %dma_start3A_11] : memref<10240x128xf32, #tpu.memory_space<hbm>> -> memref<10240x128xf32, #tpu.memory_space<hbm>>
    tpu.enqueue_indirect_dma source(%dma_start3A_12 : memref<10240x128xf32, #tpu.memory_space<hbm>>) target(%arg9 : memref<128x128xf32, #tpu.memory_space<vmem>>) offsets(%dma_start3A_9 : memref<128xi32, #tpu.memory_space<vmem>>) semaphore(%arg12 : memref<!tpu.dma_semaphore, #tpu.memory_space<semaphore_mem>>)
    %scan3A = arith.constant 0 : i32
    %scan3A_13 = arith.constant 5 : i32
    %scan3A_14 = arith.addi %scan3A, %scan3A_13 : i32
    %scan3A_15 = arith.constant 1 : i32
    scf.for %scan3A_22 = %scan3A to %scan3A_14 step %scan3A_15  : i32 {
      %mul3A_23 = arith.constant 1 : i32
      %mul3A_24 = arith.muli %scan3A_22, %mul3A_23 : i32
      %add3A_25 = arith.constant 0 : i32
      %add3A_26 = arith.addi %add3A_25, %mul3A_24 : i32
      %rem3A = arith.constant 2 : i32
      %rem3A_27 = arith.remsi %add3A_26, %rem3A : i32
      %add3A_28 = arith.constant 1 : i32
      %add3A_29 = arith.addi %add3A_26, %add3A_28 : i32
      %mul3A_30 = arith.constant 16 : i32
      %mul3A_31 = arith.muli %add3A_29, %mul3A_30 : i32
      %add3A_32 = arith.addi %mul3A_2, %mul3A_31 : i32
      %add3A_33 = arith.constant 1 : i32
      %add3A_34 = arith.addi %add3A_26, %add3A_33 : i32
      %lt3A = arith.constant 5 : i32
      %lt3A_35 = arith.cmpi slt, %add3A_34, %lt3A : i32
      %convert_element_type3A = arith.extui %lt3A_35 : i1 to i32
      %cond3A = arith.constant 0 : i32
      %cond3A_36 = arith.cmpi ne, %convert_element_type3A, %cond3A : i32
      scf.if %cond3A_36 {
        %sub3A = arith.constant 1 : i32
        %sub3A_49 = arith.subi %sub3A, %rem3A_27 : i32
        %dma_start3A_50 = arith.constant 0 : i32
        %dma_start3A_51 = arith.constant 0 : i32
        %dma_start3A_52 = tpu.memref_slice %arg7[%sub3A_49, %dma_start3A_50, %dma_start3A_51] : memref<2x16x128xi32, #tpu.memory_space<vmem>> -> memref<1x16x128xi32, #tpu.memory_space<vmem>>
        %dma_start3A_53 = tpu.memref_squeeze %dma_start3A_52 : memref<1x16x128xi32, #tpu.memory_space<vmem>> -> memref<16x128xi32, #tpu.memory_space<vmem>>
        %dma_start3A_54 = arith.constant 0 : i32
        %dma_start3A_55 = tpu.memref_slice %arg3[%add3A_32, %dma_start3A_54] : memref<2560x128xi32, #tpu.memory_space<hbm>> -> memref<16x128xi32, #tpu.memory_space<hbm>>
        %dma_start3A_56 = arith.constant 0 : i32
        %dma_start3A_57 = arith.constant 0 : i32
        %dma_start3A_58 = tpu.memref_slice %arg7[%sub3A_49, %dma_start3A_56, %dma_start3A_57] : memref<2x16x128xi32, #tpu.memory_space<vmem>> -> memref<1x16x128xi32, #tpu.memory_space<vmem>>
        %dma_start3A_59 = tpu.memref_squeeze %dma_start3A_58 : memref<1x16x128xi32, #tpu.memory_space<vmem>> -> memref<16x128xi32, #tpu.memory_space<vmem>>
        %dma_start3A_60 = arith.constant 0 : i32
        %dma_start3A_61 = tpu.memref_slice %arg3[%add3A_32, %dma_start3A_60] : memref<2560x128xi32, #tpu.memory_space<hbm>> -> memref<16x128xi32, #tpu.memory_space<hbm>>
        tpu.enqueue_dma source(%dma_start3A_61 : memref<16x128xi32, #tpu.memory_space<hbm>>) target(%dma_start3A_59 : memref<16x128xi32, #tpu.memory_space<vmem>>) target_semaphore(%arg14 : memref<!tpu.dma_semaphore, #tpu.memory_space<semaphore_mem>>)
        %sub3A_62 = arith.constant 1 : i32
        %sub3A_63 = arith.subi %sub3A_62, %rem3A_27 : i32
        %dma_start3A_64 = arith.constant 0 : i32
        %dma_start3A_65 = arith.constant 0 : i32
        %dma_start3A_66 = tpu.memref_slice %arg8[%sub3A_63, %dma_start3A_64, %dma_start3A_65] : memref<2x16x128xi32, #tpu.memory_space<vmem>> -> memref<1x16x128xi32, #tpu.memory_space<vmem>>
        %dma_start3A_67 = tpu.memref_squeeze %dma_start3A_66 : memref<1x16x128xi32, #tpu.memory_space<vmem>> -> memref<16x128xi32, #tpu.memory_space<vmem>>
        %dma_start3A_68 = arith.constant 0 : i32
        %dma_start3A_69 = tpu.memref_slice %arg4[%add3A_32, %dma_start3A_68] : memref<2560x128xi32, #tpu.memory_space<hbm>> -> memref<16x128xi32, #tpu.memory_space<hbm>>
        %dma_start3A_70 = arith.constant 0 : i32
        %dma_start3A_71 = arith.constant 0 : i32
        %dma_start3A_72 = tpu.memref_slice %arg8[%sub3A_63, %dma_start3A_70, %dma_start3A_71] : memref<2x16x128xi32, #tpu.memory_space<vmem>> -> memref<1x16x128xi32, #tpu.memory_space<vmem>>
        %dma_start3A_73 = tpu.memref_squeeze %dma_start3A_72 : memref<1x16x128xi32, #tpu.memory_space<vmem>> -> memref<16x128xi32, #tpu.memory_space<vmem>>
        %dma_start3A_74 = arith.constant 0 : i32
        %dma_start3A_75 = tpu.memref_slice %arg4[%add3A_32, %dma_start3A_74] : memref<2560x128xi32, #tpu.memory_space<hbm>> -> memref<16x128xi32, #tpu.memory_space<hbm>>
        tpu.enqueue_dma source(%dma_start3A_75 : memref<16x128xi32, #tpu.memory_space<hbm>>) target(%dma_start3A_73 : memref<16x128xi32, #tpu.memory_space<vmem>>) target_semaphore(%arg14 : memref<!tpu.dma_semaphore, #tpu.memory_space<semaphore_mem>>)
      } else {
      }
      %scan3A_37 = arith.constant 0 : i32
      %scan3A_38 = arith.constant 8 : i32
      %scan3A_39 = arith.addi %scan3A_37, %scan3A_38 : i32
      %scan3A_40 = arith.constant 1 : i32
      scf.for %scan3A_49 = %scan3A_37 to %scan3A_39 step %scan3A_40  : i32 {
        %mul3A_50 = arith.constant 1 : i32
        %mul3A_51 = arith.muli %scan3A_49, %mul3A_50 : i32
        %add3A_52 = arith.constant 0 : i32
        %add3A_53 = arith.addi %add3A_52, %mul3A_51 : i32
        %mul3A_54 = arith.constant 2 : i32
        %mul3A_55 = arith.muli %add3A_53, %mul3A_54 : i32
        %dma_wait3A = arith.constant 0 : i32
        %dma_wait3A_56 = tpu.memref_slice %arg7[%rem3A_27, %mul3A_55, %dma_wait3A] : memref<2x16x128xi32, #tpu.memory_space<vmem>> -> memref<1x1x128xi32, #tpu.memory_space<vmem>>
        %dma_wait3A_57 = tpu.memref_squeeze %dma_wait3A_56 : memref<1x1x128xi32, #tpu.memory_space<vmem>> -> memref<128xi32, #tpu.memory_space<vmem>>
        %dma_wait3A_58 = arith.constant 0 : i32
        %dma_wait3A_59 = arith.constant 0 : i32
        %dma_wait3A_60 = tpu.memref_slice %arg2[%dma_wait3A_58, %dma_wait3A_59] : memref<10240x128xf32, #tpu.memory_space<hbm>> -> memref<10240x128xf32, #tpu.memory_space<hbm>>
        tpu.wait_indirect_dma semaphore(%arg12 : memref<!tpu.dma_semaphore, #tpu.memory_space<semaphore_mem>>) src(%dma_wait3A_60 : memref<10240x128xf32, #tpu.memory_space<hbm>>) dst(%arg9 : memref<128x128xf32, #tpu.memory_space<vmem>>)
        %add3A_61 = arith.constant 1 : i32
        %add3A_62 = arith.addi %mul3A_55, %add3A_61 : i32
        %dma_start3A_63 = arith.constant 0 : i32
        %dma_start3A_64 = tpu.memref_slice %arg7[%rem3A_27, %add3A_62, %dma_start3A_63] : memref<2x16x128xi32, #tpu.memory_space<vmem>> -> memref<1x1x128xi32, #tpu.memory_space<vmem>>
        %dma_start3A_65 = tpu.memref_squeeze %dma_start3A_64 : memref<1x1x128xi32, #tpu.memory_space<vmem>> -> memref<128xi32, #tpu.memory_space<vmem>>
        %dma_start3A_66 = arith.constant 0 : i32
        %dma_start3A_67 = arith.constant 0 : i32
        %dma_start3A_68 = tpu.memref_slice %arg2[%dma_start3A_66, %dma_start3A_67] : memref<10240x128xf32, #tpu.memory_space<hbm>> -> memref<10240x128xf32, #tpu.memory_space<hbm>>
        tpu.enqueue_indirect_dma source(%dma_start3A_68 : memref<10240x128xf32, #tpu.memory_space<hbm>>) target(%arg10 : memref<128x128xf32, #tpu.memory_space<vmem>>) offsets(%dma_start3A_65 : memref<128xi32, #tpu.memory_space<vmem>>) semaphore(%arg13 : memref<!tpu.dma_semaphore, #tpu.memory_space<semaphore_mem>>)
        "tpu.region"() ({
          %run_scoped3A_86 = tpu.sem_alloc : memref<!tpu.dma_semaphore, #tpu.memory_space<semaphore_mem>>
          %dma_start3A_87 = arith.constant 0 : i32
          %dma_start3A_88 = tpu.memref_slice %arg8[%rem3A_27, %mul3A_55, %dma_start3A_87] : memref<2x16x128xi32, #tpu.memory_space<vmem>> -> memref<1x1x128xi32, #tpu.memory_space<vmem>>
          %dma_start3A_89 = tpu.memref_squeeze %dma_start3A_88 : memref<1x1x128xi32, #tpu.memory_space<vmem>> -> memref<128xi32, #tpu.memory_space<vmem>>
          %dma_start3A_90 = arith.constant 0 : i32
          %dma_start3A_91 = arith.constant 0 : i32
          %dma_start3A_92 = tpu.memref_slice %arg11[%dma_start3A_90, %dma_start3A_91] : memref<10240x128xf32, #tpu.memory_space<vmem_shared>> -> memref<10240x128xf32, #tpu.memory_space<vmem_shared>>
          tpu.enqueue_indirect_dma source(%arg9 : memref<128x128xf32, #tpu.memory_space<vmem>>) target(%dma_start3A_92 : memref<10240x128xf32, #tpu.memory_space<vmem_shared>>) offsets(%dma_start3A_89 : memref<128xi32, #tpu.memory_space<vmem>>) semaphore(%run_scoped3A_86 : memref<!tpu.dma_semaphore, #tpu.memory_space<semaphore_mem>>) {add = true}
          %dma_wait3A_93 = arith.constant 0 : i32
          %dma_wait3A_94 = tpu.memref_slice %arg8[%rem3A_27, %mul3A_55, %dma_wait3A_93] : memref<2x16x128xi32, #tpu.memory_space<vmem>> -> memref<1x1x128xi32, #tpu.memory_space<vmem>>
          %dma_wait3A_95 = tpu.memref_squeeze %dma_wait3A_94 : memref<1x1x128xi32, #tpu.memory_space<vmem>> -> memref<128xi32, #tpu.memory_space<vmem>>
          %dma_wait3A_96 = arith.constant 0 : i32
          %dma_wait3A_97 = arith.constant 0 : i32
          %dma_wait3A_98 = tpu.memref_slice %arg11[%dma_wait3A_96, %dma_wait3A_97] : memref<10240x128xf32, #tpu.memory_space<vmem_shared>> -> memref<10240x128xf32, #tpu.memory_space<vmem_shared>>
          tpu.wait_indirect_dma semaphore(%run_scoped3A_86 : memref<!tpu.dma_semaphore, #tpu.memory_space<semaphore_mem>>) src(%arg9 : memref<128x128xf32, #tpu.memory_space<vmem>>) dst(%dma_wait3A_98 : memref<10240x128xf32, #tpu.memory_space<vmem_shared>>)
          tpu.yield
        }) : () -> ()
        %add3A_69 = arith.constant 1 : i32
        %add3A_70 = arith.addi %mul3A_55, %add3A_69 : i32
        %dma_wait3A_71 = arith.constant 0 : i32
        %dma_wait3A_72 = tpu.memref_slice %arg7[%rem3A_27, %add3A_70, %dma_wait3A_71] : memref<2x16x128xi32, #tpu.memory_space<vmem>> -> memref<1x1x128xi32, #tpu.memory_space<vmem>>
        %dma_wait3A_73 = tpu.memref_squeeze %dma_wait3A_72 : memref<1x1x128xi32, #tpu.memory_space<vmem>> -> memref<128xi32, #tpu.memory_space<vmem>>
        %dma_wait3A_74 = arith.constant 0 : i32
        %dma_wait3A_75 = arith.constant 0 : i32
        %dma_wait3A_76 = tpu.memref_slice %arg2[%dma_wait3A_74, %dma_wait3A_75] : memref<10240x128xf32, #tpu.memory_space<hbm>> -> memref<10240x128xf32, #tpu.memory_space<hbm>>
        tpu.wait_indirect_dma semaphore(%arg13 : memref<!tpu.dma_semaphore, #tpu.memory_space<semaphore_mem>>) src(%dma_wait3A_76 : memref<10240x128xf32, #tpu.memory_space<hbm>>) dst(%arg10 : memref<128x128xf32, #tpu.memory_space<vmem>>)
        %add3A_77 = arith.constant 2 : i32
        %add3A_78 = arith.addi %mul3A_55, %add3A_77 : i32
        %lt3A_79 = arith.constant 16 : i32
        %lt3A_80 = arith.cmpi slt, %add3A_78, %lt3A_79 : i32
        %convert_element_type3A_81 = arith.extui %lt3A_80 : i1 to i32
        %cond3A_82 = arith.constant 0 : i32
        %cond3A_83 = arith.cmpi ne, %convert_element_type3A_81, %cond3A_82 : i32
        scf.if %cond3A_83 {
          %add3A_86 = arith.constant 2 : i32
          %add3A_87 = arith.addi %mul3A_55, %add3A_86 : i32
          %dma_start3A_88 = arith.constant 0 : i32
          %dma_start3A_89 = tpu.memref_slice %arg7[%rem3A_27, %add3A_87, %dma_start3A_88] : memref<2x16x128xi32, #tpu.memory_space<vmem>> -> memref<1x1x128xi32, #tpu.memory_space<vmem>>
          %dma_start3A_90 = tpu.memref_squeeze %dma_start3A_89 : memref<1x1x128xi32, #tpu.memory_space<vmem>> -> memref<128xi32, #tpu.memory_space<vmem>>
          %dma_start3A_91 = arith.constant 0 : i32
          %dma_start3A_92 = arith.constant 0 : i32
          %dma_start3A_93 = tpu.memref_slice %arg2[%dma_start3A_91, %dma_start3A_92] : memref<10240x128xf32, #tpu.memory_space<hbm>> -> memref<10240x128xf32, #tpu.memory_space<hbm>>
          tpu.enqueue_indirect_dma source(%dma_start3A_93 : memref<10240x128xf32, #tpu.memory_space<hbm>>) target(%arg9 : memref<128x128xf32, #tpu.memory_space<vmem>>) offsets(%dma_start3A_90 : memref<128xi32, #tpu.memory_space<vmem>>) semaphore(%arg12 : memref<!tpu.dma_semaphore, #tpu.memory_space<semaphore_mem>>)
        } else {
        }
        %add3A_84 = arith.constant 1 : i32
        %add3A_85 = arith.addi %mul3A_55, %add3A_84 : i32
        "tpu.region"() ({
          %run_scoped3A_86 = tpu.sem_alloc : memref<!tpu.dma_semaphore, #tpu.memory_space<semaphore_mem>>
          %dma_start3A_87 = arith.constant 0 : i32
          %dma_start3A_88 = tpu.memref_slice %arg8[%rem3A_27, %add3A_85, %dma_start3A_87] : memref<2x16x128xi32, #tpu.memory_space<vmem>> -> memref<1x1x128xi32, #tpu.memory_space<vmem>>
          %dma_start3A_89 = tpu.memref_squeeze %dma_start3A_88 : memref<1x1x128xi32, #tpu.memory_space<vmem>> -> memref<128xi32, #tpu.memory_space<vmem>>
          %dma_start3A_90 = arith.constant 0 : i32
          %dma_start3A_91 = arith.constant 0 : i32
          %dma_start3A_92 = tpu.memref_slice %arg11[%dma_start3A_90, %dma_start3A_91] : memref<10240x128xf32, #tpu.memory_space<vmem_shared>> -> memref<10240x128xf32, #tpu.memory_space<vmem_shared>>
          tpu.enqueue_indirect_dma source(%arg10 : memref<128x128xf32, #tpu.memory_space<vmem>>) target(%dma_start3A_92 : memref<10240x128xf32, #tpu.memory_space<vmem_shared>>) offsets(%dma_start3A_89 : memref<128xi32, #tpu.memory_space<vmem>>) semaphore(%run_scoped3A_86 : memref<!tpu.dma_semaphore, #tpu.memory_space<semaphore_mem>>) {add = true}
          %dma_wait3A_93 = arith.constant 0 : i32
          %dma_wait3A_94 = tpu.memref_slice %arg8[%rem3A_27, %add3A_85, %dma_wait3A_93] : memref<2x16x128xi32, #tpu.memory_space<vmem>> -> memref<1x1x128xi32, #tpu.memory_space<vmem>>
          %dma_wait3A_95 = tpu.memref_squeeze %dma_wait3A_94 : memref<1x1x128xi32, #tpu.memory_space<vmem>> -> memref<128xi32, #tpu.memory_space<vmem>>
          %dma_wait3A_96 = arith.constant 0 : i32
          %dma_wait3A_97 = arith.constant 0 : i32
          %dma_wait3A_98 = tpu.memref_slice %arg11[%dma_wait3A_96, %dma_wait3A_97] : memref<10240x128xf32, #tpu.memory_space<vmem_shared>> -> memref<10240x128xf32, #tpu.memory_space<vmem_shared>>
          tpu.wait_indirect_dma semaphore(%run_scoped3A_86 : memref<!tpu.dma_semaphore, #tpu.memory_space<semaphore_mem>>) src(%arg10 : memref<128x128xf32, #tpu.memory_space<vmem>>) dst(%dma_wait3A_98 : memref<10240x128xf32, #tpu.memory_space<vmem_shared>>)
          tpu.yield
        }) : () -> ()
      }
      %scan3A_41 = arith.constant 8 : i32
      %add3A_42 = arith.constant 1 : i32
      %add3A_43 = arith.addi %add3A_26, %add3A_42 : i32
      %lt3A_44 = arith.constant 5 : i32
      %lt3A_45 = arith.cmpi slt, %add3A_43, %lt3A_44 : i32
      %convert_element_type3A_46 = arith.extui %lt3A_45 : i1 to i32
      %cond3A_47 = arith.constant 0 : i32
      %cond3A_48 = arith.cmpi ne, %convert_element_type3A_46, %cond3A_47 : i32
      scf.if %cond3A_48 {
        %sub3A = arith.constant 1 : i32
        %sub3A_49 = arith.subi %sub3A, %rem3A_27 : i32
        %dma_wait3A = arith.constant 0 : i32
        %dma_wait3A_50 = arith.constant 0 : i32
        %dma_wait3A_51 = tpu.memref_slice %arg7[%sub3A_49, %dma_wait3A, %dma_wait3A_50] : memref<2x16x128xi32, #tpu.memory_space<vmem>> -> memref<1x16x128xi32, #tpu.memory_space<vmem>>
        %dma_wait3A_52 = tpu.memref_squeeze %dma_wait3A_51 : memref<1x16x128xi32, #tpu.memory_space<vmem>> -> memref<16x128xi32, #tpu.memory_space<vmem>>
        %dma_wait3A_53 = arith.constant 0 : i32
        %dma_wait3A_54 = tpu.memref_slice %arg3[%add3A_32, %dma_wait3A_53] : memref<2560x128xi32, #tpu.memory_space<hbm>> -> memref<16x128xi32, #tpu.memory_space<hbm>>
        %dma_wait3A_55 = arith.constant 0 : i32
        %dma_wait3A_56 = arith.constant 0 : i32
        %dma_wait3A_57 = tpu.memref_slice %arg7[%sub3A_49, %dma_wait3A_55, %dma_wait3A_56] : memref<2x16x128xi32, #tpu.memory_space<vmem>> -> memref<1x16x128xi32, #tpu.memory_space<vmem>>
        %dma_wait3A_58 = tpu.memref_squeeze %dma_wait3A_57 : memref<1x16x128xi32, #tpu.memory_space<vmem>> -> memref<16x128xi32, #tpu.memory_space<vmem>>
        %dma_wait3A_59 = arith.constant 0 : i32
        %dma_wait3A_60 = tpu.memref_slice %arg3[%add3A_32, %dma_wait3A_59] : memref<2560x128xi32, #tpu.memory_space<hbm>> -> memref<16x128xi32, #tpu.memory_space<hbm>>
        tpu.wait_dma2 semaphore(%arg14 : memref<!tpu.dma_semaphore, #tpu.memory_space<semaphore_mem>>) src(%dma_wait3A_60 : memref<16x128xi32, #tpu.memory_space<hbm>>) dst(%dma_wait3A_58 : memref<16x128xi32, #tpu.memory_space<vmem>>)
        %sub3A_61 = arith.constant 1 : i32
        %sub3A_62 = arith.subi %sub3A_61, %rem3A_27 : i32
        %dma_wait3A_63 = arith.constant 0 : i32
        %dma_wait3A_64 = arith.constant 0 : i32
        %dma_wait3A_65 = tpu.memref_slice %arg8[%sub3A_62, %dma_wait3A_63, %dma_wait3A_64] : memref<2x16x128xi32, #tpu.memory_space<vmem>> -> memref<1x16x128xi32, #tpu.memory_space<vmem>>
        %dma_wait3A_66 = tpu.memref_squeeze %dma_wait3A_65 : memref<1x16x128xi32, #tpu.memory_space<vmem>> -> memref<16x128xi32, #tpu.memory_space<vmem>>
        %dma_wait3A_67 = arith.constant 0 : i32
        %dma_wait3A_68 = tpu.memref_slice %arg4[%add3A_32, %dma_wait3A_67] : memref<2560x128xi32, #tpu.memory_space<hbm>> -> memref<16x128xi32, #tpu.memory_space<hbm>>
        %dma_wait3A_69 = arith.constant 0 : i32
        %dma_wait3A_70 = arith.constant 0 : i32
        %dma_wait3A_71 = tpu.memref_slice %arg8[%sub3A_62, %dma_wait3A_69, %dma_wait3A_70] : memref<2x16x128xi32, #tpu.memory_space<vmem>> -> memref<1x16x128xi32, #tpu.memory_space<vmem>>
        %dma_wait3A_72 = tpu.memref_squeeze %dma_wait3A_71 : memref<1x16x128xi32, #tpu.memory_space<vmem>> -> memref<16x128xi32, #tpu.memory_space<vmem>>
        %dma_wait3A_73 = arith.constant 0 : i32
        %dma_wait3A_74 = tpu.memref_slice %arg4[%add3A_32, %dma_wait3A_73] : memref<2560x128xi32, #tpu.memory_space<hbm>> -> memref<16x128xi32, #tpu.memory_space<hbm>>
        tpu.wait_dma2 semaphore(%arg14 : memref<!tpu.dma_semaphore, #tpu.memory_space<semaphore_mem>>) src(%dma_wait3A_74 : memref<16x128xi32, #tpu.memory_space<hbm>>) dst(%dma_wait3A_72 : memref<16x128xi32, #tpu.memory_space<vmem>>)
        %sub3A_75 = arith.constant 1 : i32
        %sub3A_76 = arith.subi %sub3A_75, %rem3A_27 : i32
        %dma_start3A_77 = arith.constant 0 : i32
        %dma_start3A_78 = arith.constant 0 : i32
        %dma_start3A_79 = tpu.memref_slice %arg7[%sub3A_76, %dma_start3A_77, %dma_start3A_78] : memref<2x16x128xi32, #tpu.memory_space<vmem>> -> memref<1x1x128xi32, #tpu.memory_space<vmem>>
        %dma_start3A_80 = tpu.memref_squeeze %dma_start3A_79 : memref<1x1x128xi32, #tpu.memory_space<vmem>> -> memref<128xi32, #tpu.memory_space<vmem>>
        %dma_start3A_81 = arith.constant 0 : i32
        %dma_start3A_82 = arith.constant 0 : i32
        %dma_start3A_83 = tpu.memref_slice %arg2[%dma_start3A_81, %dma_start3A_82] : memref<10240x128xf32, #tpu.memory_space<hbm>> -> memref<10240x128xf32, #tpu.memory_space<hbm>>
        tpu.enqueue_indirect_dma source(%dma_start3A_83 : memref<10240x128xf32, #tpu.memory_space<hbm>>) target(%arg9 : memref<128x128xf32, #tpu.memory_space<vmem>>) offsets(%dma_start3A_80 : memref<128xi32, #tpu.memory_space<vmem>>) semaphore(%arg12 : memref<!tpu.dma_semaphore, #tpu.memory_space<semaphore_mem>>)
      } else {
      }
    }
    %scan3A_16 = arith.constant 5 : i32
    %barrier3A_17 = arith.constant 0 : index
    tpu.barrier barrier_id(%barrier3A_17)
    %mul3A_18 = arith.constant 640 : i32
    %mul3A_19 = arith.muli %arg1, %mul3A_18 : i32
    %mul3A_20 = arith.constant 640 : i32
    %mul3A_21 = arith.muli %arg1, %mul3A_20 : i32
    "tpu.region"() ({
      %run_scoped3A_22 = tpu.sem_alloc : memref<!tpu.dma_semaphore, #tpu.memory_space<semaphore_mem>>
      %dma_start3A_23 = arith.constant 0 : i32
      %dma_start3A_24 = tpu.memref_slice %arg6[%arg0, %mul3A_21, %dma_start3A_23] : memref<2x10240x128xf32, #tpu.memory_space<hbm>> -> memref<1x640x128xf32, #tpu.memory_space<hbm>>
      %dma_start3A_25 = tpu.memref_squeeze %dma_start3A_24 : memref<1x640x128xf32, #tpu.memory_space<hbm>> -> memref<640x128xf32, #tpu.memory_space<hbm>>
      %dma_start3A_26 = arith.constant 0 : i32
      %dma_start3A_27 = tpu.memref_slice %arg11[%mul3A_19, %dma_start3A_26] : memref<10240x128xf32, #tpu.memory_space<vmem_shared>> -> memref<640x128xf32, #tpu.memory_space<vmem_shared>>
      tpu.enqueue_dma source(%dma_start3A_27 : memref<640x128xf32, #tpu.memory_space<vmem_shared>>) target(%dma_start3A_25 : memref<640x128xf32, #tpu.memory_space<hbm>>) target_semaphore(%run_scoped3A_22 : memref<!tpu.dma_semaphore, #tpu.memory_space<semaphore_mem>>)
      %dma_wait3A = arith.constant 0 : i32
      %dma_wait3A_28 = tpu.memref_slice %arg6[%arg0, %mul3A_21, %dma_wait3A] : memref<2x10240x128xf32, #tpu.memory_space<hbm>> -> memref<1x640x128xf32, #tpu.memory_space<hbm>>
      %dma_wait3A_29 = tpu.memref_squeeze %dma_wait3A_28 : memref<1x640x128xf32, #tpu.memory_space<hbm>> -> memref<640x128xf32, #tpu.memory_space<hbm>>
      %dma_wait3A_30 = arith.constant 0 : i32
      %dma_wait3A_31 = tpu.memref_slice %arg11[%mul3A_19, %dma_wait3A_30] : memref<10240x128xf32, #tpu.memory_space<vmem_shared>> -> memref<640x128xf32, #tpu.memory_space<vmem_shared>>
      tpu.wait_dma2 semaphore(%run_scoped3A_22 : memref<!tpu.dma_semaphore, #tpu.memory_space<semaphore_mem>>) src(%dma_wait3A_31 : memref<640x128xf32, #tpu.memory_space<vmem_shared>>) dst(%dma_wait3A_29 : memref<640x128xf32, #tpu.memory_space<hbm>>)
      tpu.yield
    }) : () -> ()
    return
  }
}

#map = affine_map<(d0, d1) -> (0, 0)>
#map1 = affine_map<(d0, d1) -> (0, 0, 0)>
module attributes {stable_mosaic.version = 14 : i64} {
  func.func @_deg_kernel(%arg0: i32, %arg1: i32, %arg2: memref<2560x128xi32, #tpu.memory_space<hbm>>, %arg3: memref<2560x128xi32, #tpu.memory_space<hbm>>, %arg4: memref<2x16x10240xf32, #tpu.memory_space<hbm>>, %arg5: memref<2x16x10240xf32, #tpu.memory_space<hbm>>, %arg6: memref<80x128xi32, #tpu.memory_space<vmem>>, %arg7: memref<80x128xi32, #tpu.memory_space<vmem>>, %arg8: memref<10240xf32, #tpu.memory_space<vmem>>, %arg9: memref<10240xf32, #tpu.memory_space<vmem>>) attributes {dimension_semantics = [#tpu.dimension_semantics<core_parallel>, #tpu.dimension_semantics<subcore_parallel>], iteration_bounds = array<i64: 2, 16>, scalar_prefetch = 0 : i64, scratch_operands = 4 : i64, tpu.core_type = #tpu.core_type<sc_vector_subcore>, window_params = [{transform_indices = #map}, {transform_indices = #map}, {transform_indices = #map1}, {transform_indices = #map1}]} {
    %mul3A = arith.constant 16 : i32
    %mul3A_0 = arith.muli %arg0, %mul3A : i32
    %add3A = arith.addi %mul3A_0, %arg1 : i32
    %mul3A_1 = arith.constant 80 : i32
    %mul3A_2 = arith.muli %add3A, %mul3A_1 : i32
    "tpu.region"() ({
      %run_scoped3A = tpu.sem_alloc : memref<!tpu.dma_semaphore, #tpu.memory_space<semaphore_mem>>
      %dma_start3A = arith.constant 0 : i32
      %dma_start3A_17 = tpu.memref_slice %arg2[%mul3A_2, %dma_start3A] : memref<2560x128xi32, #tpu.memory_space<hbm>> -> memref<80x128xi32, #tpu.memory_space<hbm>>
      %dma_start3A_18 = arith.constant 0 : i32
      %dma_start3A_19 = tpu.memref_slice %arg2[%mul3A_2, %dma_start3A_18] : memref<2560x128xi32, #tpu.memory_space<hbm>> -> memref<80x128xi32, #tpu.memory_space<hbm>>
      tpu.enqueue_dma source(%dma_start3A_19 : memref<80x128xi32, #tpu.memory_space<hbm>>) target(%arg6 : memref<80x128xi32, #tpu.memory_space<vmem>>) target_semaphore(%run_scoped3A : memref<!tpu.dma_semaphore, #tpu.memory_space<semaphore_mem>>)
      %dma_wait3A = arith.constant 0 : i32
      %dma_wait3A_20 = tpu.memref_slice %arg2[%mul3A_2, %dma_wait3A] : memref<2560x128xi32, #tpu.memory_space<hbm>> -> memref<80x128xi32, #tpu.memory_space<hbm>>
      %dma_wait3A_21 = arith.constant 0 : i32
      %dma_wait3A_22 = tpu.memref_slice %arg2[%mul3A_2, %dma_wait3A_21] : memref<2560x128xi32, #tpu.memory_space<hbm>> -> memref<80x128xi32, #tpu.memory_space<hbm>>
      tpu.wait_dma2 semaphore(%run_scoped3A : memref<!tpu.dma_semaphore, #tpu.memory_space<semaphore_mem>>) src(%dma_wait3A_22 : memref<80x128xi32, #tpu.memory_space<hbm>>) dst(%arg6 : memref<80x128xi32, #tpu.memory_space<vmem>>)
      tpu.yield
    }) : () -> ()
    %mul3A_3 = arith.constant 80 : i32
    %mul3A_4 = arith.muli %add3A, %mul3A_3 : i32
    "tpu.region"() ({
      %run_scoped3A = tpu.sem_alloc : memref<!tpu.dma_semaphore, #tpu.memory_space<semaphore_mem>>
      %dma_start3A = arith.constant 0 : i32
      %dma_start3A_17 = tpu.memref_slice %arg3[%mul3A_4, %dma_start3A] : memref<2560x128xi32, #tpu.memory_space<hbm>> -> memref<80x128xi32, #tpu.memory_space<hbm>>
      %dma_start3A_18 = arith.constant 0 : i32
      %dma_start3A_19 = tpu.memref_slice %arg3[%mul3A_4, %dma_start3A_18] : memref<2560x128xi32, #tpu.memory_space<hbm>> -> memref<80x128xi32, #tpu.memory_space<hbm>>
      tpu.enqueue_dma source(%dma_start3A_19 : memref<80x128xi32, #tpu.memory_space<hbm>>) target(%arg7 : memref<80x128xi32, #tpu.memory_space<vmem>>) target_semaphore(%run_scoped3A : memref<!tpu.dma_semaphore, #tpu.memory_space<semaphore_mem>>)
      %dma_wait3A = arith.constant 0 : i32
      %dma_wait3A_20 = tpu.memref_slice %arg3[%mul3A_4, %dma_wait3A] : memref<2560x128xi32, #tpu.memory_space<hbm>> -> memref<80x128xi32, #tpu.memory_space<hbm>>
      %dma_wait3A_21 = arith.constant 0 : i32
      %dma_wait3A_22 = tpu.memref_slice %arg3[%mul3A_4, %dma_wait3A_21] : memref<2560x128xi32, #tpu.memory_space<hbm>> -> memref<80x128xi32, #tpu.memory_space<hbm>>
      tpu.wait_dma2 semaphore(%run_scoped3A : memref<!tpu.dma_semaphore, #tpu.memory_space<semaphore_mem>>) src(%dma_wait3A_22 : memref<80x128xi32, #tpu.memory_space<hbm>>) dst(%arg7 : memref<80x128xi32, #tpu.memory_space<vmem>>)
      tpu.yield
    }) : () -> ()
    %broadcast_in_dim3A = arith.constant 0.000000e+00 : f32
    %broadcast_in_dim3A_5 = vector.broadcast %broadcast_in_dim3A : f32 to vector<16xf32>
    %scan3A = arith.constant 0 : i32
    %scan3A_6 = arith.constant 640 : i32
    %scan3A_7 = arith.addi %scan3A, %scan3A_6 : i32
    %scan3A_8 = arith.constant 1 : i32
    scf.for %scan3A_17 = %scan3A to %scan3A_7 step %scan3A_8  : i32 {
      %mul3A_18 = arith.constant 1 : i32
      %mul3A_19 = arith.muli %scan3A_17, %mul3A_18 : i32
      %add3A_20 = arith.constant 0 : i32
      %add3A_21 = arith.addi %add3A_20, %mul3A_19 : i32
      %mul3A_22 = arith.constant 16 : i32
      %mul3A_23 = arith.muli %add3A_21, %mul3A_22 : i32
      %swap3A = arith.index_cast %mul3A_23 : i32 to index
      %swap3A_24 = tpu.vector_load %arg8[%swap3A] {strides = array<i32>} : memref<10240xf32, #tpu.memory_space<vmem>>, vector<16xf32>,
      tpu.vector_store %arg8[%swap3A], %broadcast_in_dim3A_5 {strides = array<i32>} : memref<10240xf32, #tpu.memory_space<vmem>>, vector<16xf32>,
      %mul3A_25 = arith.constant 16 : i32
      %mul3A_26 = arith.muli %add3A_21, %mul3A_25 : i32
      %swap3A_27 = arith.index_cast %mul3A_26 : i32 to index
      %swap3A_28 = tpu.vector_load %arg9[%swap3A_27] {strides = array<i32>} : memref<10240xf32, #tpu.memory_space<vmem>>, vector<16xf32>,
      tpu.vector_store %arg9[%swap3A_27], %broadcast_in_dim3A_5 {strides = array<i32>} : memref<10240xf32, #tpu.memory_space<vmem>>, vector<16xf32>,
    }
    %scan3A_9 = arith.constant 640 : i32
    %broadcast_in_dim3A_10 = arith.constant 1.000000e+00 : f32
    %broadcast_in_dim3A_11 = vector.broadcast %broadcast_in_dim3A_10 : f32 to vector<16xf32>
    %scan3A_12 = arith.constant 0 : i32
    %scan3A_13 = arith.constant 80 : i32
    %scan3A_14 = arith.addi %scan3A_12, %scan3A_13 : i32
    %scan3A_15 = arith.constant 1 : i32
    scf.for %scan3A_17 = %scan3A_12 to %scan3A_14 step %scan3A_15  : i32 {
      %mul3A_18 = arith.constant 1 : i32
      %mul3A_19 = arith.muli %scan3A_17, %mul3A_18 : i32
      %add3A_20 = arith.constant 0 : i32
      %add3A_21 = arith.addi %add3A_20, %mul3A_19 : i32
      %get3A = arith.index_cast %add3A_21 : i32 to index
      %get3A_22 = arith.constant 0 : index
      %get3A_23 = tpu.vector_load %arg6[%get3A, %get3A_22] {strides = array<i32>} : memref<80x128xi32, #tpu.memory_space<vmem>>, vector<16xi32>,
      tpu.vector_store_idx %arg8[%get3A_23], %broadcast_in_dim3A_11 {add = true} : memref<10240xf32, #tpu.memory_space<vmem>>[vector<16xi32>], vector<16xf32>,
      %get3A_24 = arith.index_cast %add3A_21 : i32 to index
      %get3A_25 = arith.constant 0 : index
      %get3A_26 = tpu.vector_load %arg7[%get3A_24, %get3A_25] {strides = array<i32>} : memref<80x128xi32, #tpu.memory_space<vmem>>, vector<16xi32>,
      tpu.vector_store_idx %arg9[%get3A_26], %broadcast_in_dim3A_11 {add = true} : memref<10240xf32, #tpu.memory_space<vmem>>[vector<16xi32>], vector<16xf32>,
      %get3A_27 = arith.index_cast %add3A_21 : i32 to index
      %get3A_28 = arith.constant 16 : index
      %get3A_29 = tpu.vector_load %arg6[%get3A_27, %get3A_28] {strides = array<i32>} : memref<80x128xi32, #tpu.memory_space<vmem>>, vector<16xi32>,
      tpu.vector_store_idx %arg8[%get3A_29], %broadcast_in_dim3A_11 {add = true} : memref<10240xf32, #tpu.memory_space<vmem>>[vector<16xi32>], vector<16xf32>,
      %get3A_30 = arith.index_cast %add3A_21 : i32 to index
      %get3A_31 = arith.constant 16 : index
      %get3A_32 = tpu.vector_load %arg7[%get3A_30, %get3A_31] {strides = array<i32>} : memref<80x128xi32, #tpu.memory_space<vmem>>, vector<16xi32>,
      tpu.vector_store_idx %arg9[%get3A_32], %broadcast_in_dim3A_11 {add = true} : memref<10240xf32, #tpu.memory_space<vmem>>[vector<16xi32>], vector<16xf32>,
      %get3A_33 = arith.index_cast %add3A_21 : i32 to index
      %get3A_34 = arith.constant 32 : index
      %get3A_35 = tpu.vector_load %arg6[%get3A_33, %get3A_34] {strides = array<i32>} : memref<80x128xi32, #tpu.memory_space<vmem>>, vector<16xi32>,
      tpu.vector_store_idx %arg8[%get3A_35], %broadcast_in_dim3A_11 {add = true} : memref<10240xf32, #tpu.memory_space<vmem>>[vector<16xi32>], vector<16xf32>,
      %get3A_36 = arith.index_cast %add3A_21 : i32 to index
      %get3A_37 = arith.constant 32 : index
      %get3A_38 = tpu.vector_load %arg7[%get3A_36, %get3A_37] {strides = array<i32>} : memref<80x128xi32, #tpu.memory_space<vmem>>, vector<16xi32>,
      tpu.vector_store_idx %arg9[%get3A_38], %broadcast_in_dim3A_11 {add = true} : memref<10240xf32, #tpu.memory_space<vmem>>[vector<16xi32>], vector<16xf32>,
      %get3A_39 = arith.index_cast %add3A_21 : i32 to index
      %get3A_40 = arith.constant 48 : index
      %get3A_41 = tpu.vector_load %arg6[%get3A_39, %get3A_40] {strides = array<i32>} : memref<80x128xi32, #tpu.memory_space<vmem>>, vector<16xi32>,
      tpu.vector_store_idx %arg8[%get3A_41], %broadcast_in_dim3A_11 {add = true} : memref<10240xf32, #tpu.memory_space<vmem>>[vector<16xi32>], vector<16xf32>,
      %get3A_42 = arith.index_cast %add3A_21 : i32 to index
      %get3A_43 = arith.constant 48 : index
      %get3A_44 = tpu.vector_load %arg7[%get3A_42, %get3A_43] {strides = array<i32>} : memref<80x128xi32, #tpu.memory_space<vmem>>, vector<16xi32>,
      tpu.vector_store_idx %arg9[%get3A_44], %broadcast_in_dim3A_11 {add = true} : memref<10240xf32, #tpu.memory_space<vmem>>[vector<16xi32>], vector<16xf32>,
      %get3A_45 = arith.index_cast %add3A_21 : i32 to index
      %get3A_46 = arith.constant 64 : index
      %get3A_47 = tpu.vector_load %arg6[%get3A_45, %get3A_46] {strides = array<i32>} : memref<80x128xi32, #tpu.memory_space<vmem>>, vector<16xi32>,
      tpu.vector_store_idx %arg8[%get3A_47], %broadcast_in_dim3A_11 {add = true} : memref<10240xf32, #tpu.memory_space<vmem>>[vector<16xi32>], vector<16xf32>,
      %get3A_48 = arith.index_cast %add3A_21 : i32 to index
      %get3A_49 = arith.constant 64 : index
      %get3A_50 = tpu.vector_load %arg7[%get3A_48, %get3A_49] {strides = array<i32>} : memref<80x128xi32, #tpu.memory_space<vmem>>, vector<16xi32>,
      tpu.vector_store_idx %arg9[%get3A_50], %broadcast_in_dim3A_11 {add = true} : memref<10240xf32, #tpu.memory_space<vmem>>[vector<16xi32>], vector<16xf32>,
      %get3A_51 = arith.index_cast %add3A_21 : i32 to index
      %get3A_52 = arith.constant 80 : index
      %get3A_53 = tpu.vector_load %arg6[%get3A_51, %get3A_52] {strides = array<i32>} : memref<80x128xi32, #tpu.memory_space<vmem>>, vector<16xi32>,
      tpu.vector_store_idx %arg8[%get3A_53], %broadcast_in_dim3A_11 {add = true} : memref<10240xf32, #tpu.memory_space<vmem>>[vector<16xi32>], vector<16xf32>,
      %get3A_54 = arith.index_cast %add3A_21 : i32 to index
      %get3A_55 = arith.constant 80 : index
      %get3A_56 = tpu.vector_load %arg7[%get3A_54, %get3A_55] {strides = array<i32>} : memref<80x128xi32, #tpu.memory_space<vmem>>, vector<16xi32>,
      tpu.vector_store_idx %arg9[%get3A_56], %broadcast_in_dim3A_11 {add = true} : memref<10240xf32, #tpu.memory_space<vmem>>[vector<16xi32>], vector<16xf32>,
      %get3A_57 = arith.index_cast %add3A_21 : i32 to index
      %get3A_58 = arith.constant 96 : index
      %get3A_59 = tpu.vector_load %arg6[%get3A_57, %get3A_58] {strides = array<i32>} : memref<80x128xi32, #tpu.memory_space<vmem>>, vector<16xi32>,
      tpu.vector_store_idx %arg8[%get3A_59], %broadcast_in_dim3A_11 {add = true} : memref<10240xf32, #tpu.memory_space<vmem>>[vector<16xi32>], vector<16xf32>,
      %get3A_60 = arith.index_cast %add3A_21 : i32 to index
      %get3A_61 = arith.constant 96 : index
      %get3A_62 = tpu.vector_load %arg7[%get3A_60, %get3A_61] {strides = array<i32>} : memref<80x128xi32, #tpu.memory_space<vmem>>, vector<16xi32>,
      tpu.vector_store_idx %arg9[%get3A_62], %broadcast_in_dim3A_11 {add = true} : memref<10240xf32, #tpu.memory_space<vmem>>[vector<16xi32>], vector<16xf32>,
      %get3A_63 = arith.index_cast %add3A_21 : i32 to index
      %get3A_64 = arith.constant 112 : index
      %get3A_65 = tpu.vector_load %arg6[%get3A_63, %get3A_64] {strides = array<i32>} : memref<80x128xi32, #tpu.memory_space<vmem>>, vector<16xi32>,
      tpu.vector_store_idx %arg8[%get3A_65], %broadcast_in_dim3A_11 {add = true} : memref<10240xf32, #tpu.memory_space<vmem>>[vector<16xi32>], vector<16xf32>,
      %get3A_66 = arith.index_cast %add3A_21 : i32 to index
      %get3A_67 = arith.constant 112 : index
      %get3A_68 = tpu.vector_load %arg7[%get3A_66, %get3A_67] {strides = array<i32>} : memref<80x128xi32, #tpu.memory_space<vmem>>, vector<16xi32>,
      tpu.vector_store_idx %arg9[%get3A_68], %broadcast_in_dim3A_11 {add = true} : memref<10240xf32, #tpu.memory_space<vmem>>[vector<16xi32>], vector<16xf32>,
    }
    %scan3A_16 = arith.constant 80 : i32
    "tpu.region"() ({
      %run_scoped3A = tpu.sem_alloc : memref<!tpu.dma_semaphore, #tpu.memory_space<semaphore_mem>>
      %dma_start3A = arith.constant 0 : i32
      %dma_start3A_17 = tpu.memref_slice %arg4[%arg0, %arg1, %dma_start3A] : memref<2x16x10240xf32, #tpu.memory_space<hbm>> -> memref<1x1x10240xf32, #tpu.memory_space<hbm>>
      %dma_start3A_18 = tpu.memref_squeeze %dma_start3A_17 : memref<1x1x10240xf32, #tpu.memory_space<hbm>> -> memref<10240xf32, #tpu.memory_space<hbm>>
      %dma_start3A_19 = arith.constant 0 : i32
      %dma_start3A_20 = tpu.memref_slice %arg4[%arg0, %arg1, %dma_start3A_19] : memref<2x16x10240xf32, #tpu.memory_space<hbm>> -> memref<1x1x10240xf32, #tpu.memory_space<hbm>>
      %dma_start3A_21 = tpu.memref_squeeze %dma_start3A_20 : memref<1x1x10240xf32, #tpu.memory_space<hbm>> -> memref<10240xf32, #tpu.memory_space<hbm>>
      tpu.enqueue_dma source(%arg8 : memref<10240xf32, #tpu.memory_space<vmem>>) target(%dma_start3A_21 : memref<10240xf32, #tpu.memory_space<hbm>>) target_semaphore(%run_scoped3A : memref<!tpu.dma_semaphore, #tpu.memory_space<semaphore_mem>>)
      %dma_wait3A = arith.constant 0 : i32
      %dma_wait3A_22 = tpu.memref_slice %arg4[%arg0, %arg1, %dma_wait3A] : memref<2x16x10240xf32, #tpu.memory_space<hbm>> -> memref<1x1x10240xf32, #tpu.memory_space<hbm>>
      %dma_wait3A_23 = tpu.memref_squeeze %dma_wait3A_22 : memref<1x1x10240xf32, #tpu.memory_space<hbm>> -> memref<10240xf32, #tpu.memory_space<hbm>>
      %dma_wait3A_24 = arith.constant 0 : i32
      %dma_wait3A_25 = tpu.memref_slice %arg4[%arg0, %arg1, %dma_wait3A_24] : memref<2x16x10240xf32, #tpu.memory_space<hbm>> -> memref<1x1x10240xf32, #tpu.memory_space<hbm>>
      %dma_wait3A_26 = tpu.memref_squeeze %dma_wait3A_25 : memref<1x1x10240xf32, #tpu.memory_space<hbm>> -> memref<10240xf32, #tpu.memory_space<hbm>>
      tpu.wait_dma2 semaphore(%run_scoped3A : memref<!tpu.dma_semaphore, #tpu.memory_space<semaphore_mem>>) src(%arg8 : memref<10240xf32, #tpu.memory_space<vmem>>) dst(%dma_wait3A_26 : memref<10240xf32, #tpu.memory_space<hbm>>)
      tpu.yield
    }) : () -> ()
    "tpu.region"() ({
      %run_scoped3A = tpu.sem_alloc : memref<!tpu.dma_semaphore, #tpu.memory_space<semaphore_mem>>
      %dma_start3A = arith.constant 0 : i32
      %dma_start3A_17 = tpu.memref_slice %arg5[%arg0, %arg1, %dma_start3A] : memref<2x16x10240xf32, #tpu.memory_space<hbm>> -> memref<1x1x10240xf32, #tpu.memory_space<hbm>>
      %dma_start3A_18 = tpu.memref_squeeze %dma_start3A_17 : memref<1x1x10240xf32, #tpu.memory_space<hbm>> -> memref<10240xf32, #tpu.memory_space<hbm>>
      %dma_start3A_19 = arith.constant 0 : i32
      %dma_start3A_20 = tpu.memref_slice %arg5[%arg0, %arg1, %dma_start3A_19] : memref<2x16x10240xf32, #tpu.memory_space<hbm>> -> memref<1x1x10240xf32, #tpu.memory_space<hbm>>
      %dma_start3A_21 = tpu.memref_squeeze %dma_start3A_20 : memref<1x1x10240xf32, #tpu.memory_space<hbm>> -> memref<10240xf32, #tpu.memory_space<hbm>>
      tpu.enqueue_dma source(%arg9 : memref<10240xf32, #tpu.memory_space<vmem>>) target(%dma_start3A_21 : memref<10240xf32, #tpu.memory_space<hbm>>) target_semaphore(%run_scoped3A : memref<!tpu.dma_semaphore, #tpu.memory_space<semaphore_mem>>)
      %dma_wait3A = arith.constant 0 : i32
      %dma_wait3A_22 = tpu.memref_slice %arg5[%arg0, %arg1, %dma_wait3A] : memref<2x16x10240xf32, #tpu.memory_space<hbm>> -> memref<1x1x10240xf32, #tpu.memory_space<hbm>>
      %dma_wait3A_23 = tpu.memref_squeeze %dma_wait3A_22 : memref<1x1x10240xf32, #tpu.memory_space<hbm>> -> memref<10240xf32, #tpu.memory_space<hbm>>
      %dma_wait3A_24 = arith.constant 0 : i32
      %dma_wait3A_25 = tpu.memref_slice %arg5[%arg0, %arg1, %dma_wait3A_24] : memref<2x16x10240xf32, #tpu.memory_space<hbm>> -> memref<1x1x10240xf32, #tpu.memory_space<hbm>>
      %dma_wait3A_26 = tpu.memref_squeeze %dma_wait3A_25 : memref<1x1x10240xf32, #tpu.memory_space<hbm>> -> memref<10240xf32, #tpu.memory_space<hbm>>
      tpu.wait_dma2 semaphore(%run_scoped3A : memref<!tpu.dma_semaphore, #tpu.memory_space<semaphore_mem>>) src(%arg9 : memref<10240xf32, #tpu.memory_space<vmem>>) dst(%dma_wait3A_26 : memref<10240xf32, #tpu.memory_space<hbm>>)
      tpu.yield
    }) : () -> ()
    return
  }
}

#map = affine_map<(d0, d1) -> (0, 0)>
#map1 = affine_map<(d0, d1) -> (0, 0, 0)>
module attributes {stable_mosaic.version = 14 : i64} {
  func.func @_agg_kernel(%arg0: i32, %arg1: i32, %arg2: memref<10240x128xf32, #tpu.memory_space<hbm>>, %arg3: memref<2560x128xi32, #tpu.memory_space<hbm>>, %arg4: memref<2560x128xi32, #tpu.memory_space<hbm>>, %arg5: memref<640x128xf32, #tpu.memory_space<hbm>>, %arg6: memref<2x10240x128xf32, #tpu.memory_space<hbm>>, %arg7: memref<2x16x128xi32, #tpu.memory_space<vmem>>, %arg8: memref<2x16x128xi32, #tpu.memory_space<vmem>>, %arg9: memref<128x128xf32, #tpu.memory_space<vmem>>, %arg10: memref<128x128xf32, #tpu.memory_space<vmem>>, %arg11: memref<10240x128xf32, #tpu.memory_space<vmem_shared>>, %arg12: memref<!tpu.dma_semaphore, #tpu.memory_space<semaphore_mem>>, %arg13: memref<!tpu.dma_semaphore, #tpu.memory_space<semaphore_mem>>, %arg14: memref<!tpu.dma_semaphore, #tpu.memory_space<semaphore_mem>>) attributes {dimension_semantics = [#tpu.dimension_semantics<core_parallel>, #tpu.dimension_semantics<subcore_parallel>], iteration_bounds = array<i64: 2, 16>, scalar_prefetch = 0 : i64, scratch_operands = 8 : i64, tpu.core_type = #tpu.core_type<sc_vector_subcore>, window_params = [{transform_indices = #map}, {transform_indices = #map}, {transform_indices = #map}, {transform_indices = #map}, {transform_indices = #map1}]} {
    %mul3A = arith.constant 16 : i32
    %mul3A_0 = arith.muli %arg0, %mul3A : i32
    %add3A = arith.addi %mul3A_0, %arg1 : i32
    %mul3A_1 = arith.constant 80 : i32
    %mul3A_2 = arith.muli %add3A, %mul3A_1 : i32
    %mul3A_3 = arith.constant 640 : i32
    %mul3A_4 = arith.muli %arg1, %mul3A_3 : i32
    "tpu.region"() ({
      %run_scoped3A_22 = tpu.sem_alloc : memref<!tpu.dma_semaphore, #tpu.memory_space<semaphore_mem>>
      %dma_start3A_23 = arith.constant 0 : i32
      %dma_start3A_24 = tpu.memref_slice %arg11[%mul3A_4, %dma_start3A_23] : memref<10240x128xf32, #tpu.memory_space<vmem_shared>> -> memref<640x128xf32, #tpu.memory_space<vmem_shared>>
      tpu.enqueue_dma source(%arg5 : memref<640x128xf32, #tpu.memory_space<hbm>>) target(%dma_start3A_24 : memref<640x128xf32, #tpu.memory_space<vmem_shared>>) target_semaphore(%run_scoped3A_22 : memref<!tpu.dma_semaphore, #tpu.memory_space<semaphore_mem>>)
      %dma_wait3A = arith.constant 0 : i32
      %dma_wait3A_25 = tpu.memref_slice %arg11[%mul3A_4, %dma_wait3A] : memref<10240x128xf32, #tpu.memory_space<vmem_shared>> -> memref<640x128xf32, #tpu.memory_space<vmem_shared>>
      tpu.wait_dma2 semaphore(%run_scoped3A_22 : memref<!tpu.dma_semaphore, #tpu.memory_space<semaphore_mem>>) src(%arg5 : memref<640x128xf32, #tpu.memory_space<hbm>>) dst(%dma_wait3A_25 : memref<640x128xf32, #tpu.memory_space<vmem_shared>>)
      tpu.yield
    }) : () -> ()
    %run_scoped3A = arith.constant 0 : i32
    "tpu.region"() ({
      %run_scoped3A_22 = tpu.sem_alloc : memref<!tpu.dma_semaphore, #tpu.memory_space<semaphore_mem>>
      %dma_start3A_23 = arith.constant 0 : i32
      %dma_start3A_24 = arith.constant 0 : i32
      %dma_start3A_25 = tpu.memref_slice %arg7[%run_scoped3A, %dma_start3A_23, %dma_start3A_24] : memref<2x16x128xi32, #tpu.memory_space<vmem>> -> memref<1x16x128xi32, #tpu.memory_space<vmem>>
      %dma_start3A_26 = tpu.memref_squeeze %dma_start3A_25 : memref<1x16x128xi32, #tpu.memory_space<vmem>> -> memref<16x128xi32, #tpu.memory_space<vmem>>
      %dma_start3A_27 = arith.constant 0 : i32
      %dma_start3A_28 = tpu.memref_slice %arg3[%mul3A_2, %dma_start3A_27] : memref<2560x128xi32, #tpu.memory_space<hbm>> -> memref<16x128xi32, #tpu.memory_space<hbm>>
      %dma_start3A_29 = arith.constant 0 : i32
      %dma_start3A_30 = arith.constant 0 : i32
      %dma_start3A_31 = tpu.memref_slice %arg7[%run_scoped3A, %dma_start3A_29, %dma_start3A_30] : memref<2x16x128xi32, #tpu.memory_space<vmem>> -> memref<1x16x128xi32, #tpu.memory_space<vmem>>
      %dma_start3A_32 = tpu.memref_squeeze %dma_start3A_31 : memref<1x16x128xi32, #tpu.memory_space<vmem>> -> memref<16x128xi32, #tpu.memory_space<vmem>>
      %dma_start3A_33 = arith.constant 0 : i32
      %dma_start3A_34 = tpu.memref_slice %arg3[%mul3A_2, %dma_start3A_33] : memref<2560x128xi32, #tpu.memory_space<hbm>> -> memref<16x128xi32, #tpu.memory_space<hbm>>
      tpu.enqueue_dma source(%dma_start3A_34 : memref<16x128xi32, #tpu.memory_space<hbm>>) target(%dma_start3A_32 : memref<16x128xi32, #tpu.memory_space<vmem>>) target_semaphore(%run_scoped3A_22 : memref<!tpu.dma_semaphore, #tpu.memory_space<semaphore_mem>>)
      %dma_wait3A = arith.constant 0 : i32
      %dma_wait3A_35 = arith.constant 0 : i32
      %dma_wait3A_36 = tpu.memref_slice %arg7[%run_scoped3A, %dma_wait3A, %dma_wait3A_35] : memref<2x16x128xi32, #tpu.memory_space<vmem>> -> memref<1x16x128xi32, #tpu.memory_space<vmem>>
      %dma_wait3A_37 = tpu.memref_squeeze %dma_wait3A_36 : memref<1x16x128xi32, #tpu.memory_space<vmem>> -> memref<16x128xi32, #tpu.memory_space<vmem>>
      %dma_wait3A_38 = arith.constant 0 : i32
      %dma_wait3A_39 = tpu.memref_slice %arg3[%mul3A_2, %dma_wait3A_38] : memref<2560x128xi32, #tpu.memory_space<hbm>> -> memref<16x128xi32, #tpu.memory_space<hbm>>
      %dma_wait3A_40 = arith.constant 0 : i32
      %dma_wait3A_41 = arith.constant 0 : i32
      %dma_wait3A_42 = tpu.memref_slice %arg7[%run_scoped3A, %dma_wait3A_40, %dma_wait3A_41] : memref<2x16x128xi32, #tpu.memory_space<vmem>> -> memref<1x16x128xi32, #tpu.memory_space<vmem>>
      %dma_wait3A_43 = tpu.memref_squeeze %dma_wait3A_42 : memref<1x16x128xi32, #tpu.memory_space<vmem>> -> memref<16x128xi32, #tpu.memory_space<vmem>>
      %dma_wait3A_44 = arith.constant 0 : i32
      %dma_wait3A_45 = tpu.memref_slice %arg3[%mul3A_2, %dma_wait3A_44] : memref<2560x128xi32, #tpu.memory_space<hbm>> -> memref<16x128xi32, #tpu.memory_space<hbm>>
      tpu.wait_dma2 semaphore(%run_scoped3A_22 : memref<!tpu.dma_semaphore, #tpu.memory_space<semaphore_mem>>) src(%dma_wait3A_45 : memref<16x128xi32, #tpu.memory_space<hbm>>) dst(%dma_wait3A_43 : memref<16x128xi32, #tpu.memory_space<vmem>>)
      tpu.yield
    }) : () -> ()
    %run_scoped3A_5 = arith.constant 0 : i32
    "tpu.region"() ({
      %run_scoped3A_22 = tpu.sem_alloc : memref<!tpu.dma_semaphore, #tpu.memory_space<semaphore_mem>>
      %dma_start3A_23 = arith.constant 0 : i32
      %dma_start3A_24 = arith.constant 0 : i32
      %dma_start3A_25 = tpu.memref_slice %arg8[%run_scoped3A_5, %dma_start3A_23, %dma_start3A_24] : memref<2x16x128xi32, #tpu.memory_space<vmem>> -> memref<1x16x128xi32, #tpu.memory_space<vmem>>
      %dma_start3A_26 = tpu.memref_squeeze %dma_start3A_25 : memref<1x16x128xi32, #tpu.memory_space<vmem>> -> memref<16x128xi32, #tpu.memory_space<vmem>>
      %dma_start3A_27 = arith.constant 0 : i32
      %dma_start3A_28 = tpu.memref_slice %arg4[%mul3A_2, %dma_start3A_27] : memref<2560x128xi32, #tpu.memory_space<hbm>> -> memref<16x128xi32, #tpu.memory_space<hbm>>
      %dma_start3A_29 = arith.constant 0 : i32
      %dma_start3A_30 = arith.constant 0 : i32
      %dma_start3A_31 = tpu.memref_slice %arg8[%run_scoped3A_5, %dma_start3A_29, %dma_start3A_30] : memref<2x16x128xi32, #tpu.memory_space<vmem>> -> memref<1x16x128xi32, #tpu.memory_space<vmem>>
      %dma_start3A_32 = tpu.memref_squeeze %dma_start3A_31 : memref<1x16x128xi32, #tpu.memory_space<vmem>> -> memref<16x128xi32, #tpu.memory_space<vmem>>
      %dma_start3A_33 = arith.constant 0 : i32
      %dma_start3A_34 = tpu.memref_slice %arg4[%mul3A_2, %dma_start3A_33] : memref<2560x128xi32, #tpu.memory_space<hbm>> -> memref<16x128xi32, #tpu.memory_space<hbm>>
      tpu.enqueue_dma source(%dma_start3A_34 : memref<16x128xi32, #tpu.memory_space<hbm>>) target(%dma_start3A_32 : memref<16x128xi32, #tpu.memory_space<vmem>>) target_semaphore(%run_scoped3A_22 : memref<!tpu.dma_semaphore, #tpu.memory_space<semaphore_mem>>)
      %dma_wait3A = arith.constant 0 : i32
      %dma_wait3A_35 = arith.constant 0 : i32
      %dma_wait3A_36 = tpu.memref_slice %arg8[%run_scoped3A_5, %dma_wait3A, %dma_wait3A_35] : memref<2x16x128xi32, #tpu.memory_space<vmem>> -> memref<1x16x128xi32, #tpu.memory_space<vmem>>
      %dma_wait3A_37 = tpu.memref_squeeze %dma_wait3A_36 : memref<1x16x128xi32, #tpu.memory_space<vmem>> -> memref<16x128xi32, #tpu.memory_space<vmem>>
      %dma_wait3A_38 = arith.constant 0 : i32
      %dma_wait3A_39 = tpu.memref_slice %arg4[%mul3A_2, %dma_wait3A_38] : memref<2560x128xi32, #tpu.memory_space<hbm>> -> memref<16x128xi32, #tpu.memory_space<hbm>>
      %dma_wait3A_40 = arith.constant 0 : i32
      %dma_wait3A_41 = arith.constant 0 : i32
      %dma_wait3A_42 = tpu.memref_slice %arg8[%run_scoped3A_5, %dma_wait3A_40, %dma_wait3A_41] : memref<2x16x128xi32, #tpu.memory_space<vmem>> -> memref<1x16x128xi32, #tpu.memory_space<vmem>>
      %dma_wait3A_43 = tpu.memref_squeeze %dma_wait3A_42 : memref<1x16x128xi32, #tpu.memory_space<vmem>> -> memref<16x128xi32, #tpu.memory_space<vmem>>
      %dma_wait3A_44 = arith.constant 0 : i32
      %dma_wait3A_45 = tpu.memref_slice %arg4[%mul3A_2, %dma_wait3A_44] : memref<2560x128xi32, #tpu.memory_space<hbm>> -> memref<16x128xi32, #tpu.memory_space<hbm>>
      tpu.wait_dma2 semaphore(%run_scoped3A_22 : memref<!tpu.dma_semaphore, #tpu.memory_space<semaphore_mem>>) src(%dma_wait3A_45 : memref<16x128xi32, #tpu.memory_space<hbm>>) dst(%dma_wait3A_43 : memref<16x128xi32, #tpu.memory_space<vmem>>)
      tpu.yield
    }) : () -> ()
    %barrier3A = arith.constant 0 : index
    tpu.barrier barrier_id(%barrier3A)
    %dma_start3A = arith.constant 0 : i32
    %dma_start3A_6 = arith.constant 0 : i32
    %dma_start3A_7 = arith.constant 0 : i32
    %dma_start3A_8 = tpu.memref_slice %arg7[%dma_start3A, %dma_start3A_6, %dma_start3A_7] : memref<2x16x128xi32, #tpu.memory_space<vmem>> -> memref<1x1x128xi32, #tpu.memory_space<vmem>>
    %dma_start3A_9 = tpu.memref_squeeze %dma_start3A_8 : memref<1x1x128xi32, #tpu.memory_space<vmem>> -> memref<128xi32, #tpu.memory_space<vmem>>
    %dma_start3A_10 = arith.constant 0 : i32
    %dma_start3A_11 = arith.constant 0 : i32
    %dma_start3A_12 = tpu.memref_slice %arg2[%dma_start3A_10, %dma_start3A_11] : memref<10240x128xf32, #tpu.memory_space<hbm>> -> memref<10240x128xf32, #tpu.memory_space<hbm>>
    tpu.enqueue_indirect_dma source(%dma_start3A_12 : memref<10240x128xf32, #tpu.memory_space<hbm>>) target(%arg9 : memref<128x128xf32, #tpu.memory_space<vmem>>) offsets(%dma_start3A_9 : memref<128xi32, #tpu.memory_space<vmem>>) semaphore(%arg12 : memref<!tpu.dma_semaphore, #tpu.memory_space<semaphore_mem>>)
    %scan3A = arith.constant 0 : i32
    %scan3A_13 = arith.constant 5 : i32
    %scan3A_14 = arith.addi %scan3A, %scan3A_13 : i32
    %scan3A_15 = arith.constant 1 : i32
    scf.for %scan3A_22 = %scan3A to %scan3A_14 step %scan3A_15  : i32 {
      %mul3A_23 = arith.constant 1 : i32
      %mul3A_24 = arith.muli %scan3A_22, %mul3A_23 : i32
      %add3A_25 = arith.constant 0 : i32
      %add3A_26 = arith.addi %add3A_25, %mul3A_24 : i32
      %rem3A = arith.constant 2 : i32
      %rem3A_27 = arith.remsi %add3A_26, %rem3A : i32
      %add3A_28 = arith.constant 1 : i32
      %add3A_29 = arith.addi %add3A_26, %add3A_28 : i32
      %mul3A_30 = arith.constant 16 : i32
      %mul3A_31 = arith.muli %add3A_29, %mul3A_30 : i32
      %add3A_32 = arith.addi %mul3A_2, %mul3A_31 : i32
      %add3A_33 = arith.constant 1 : i32
      %add3A_34 = arith.addi %add3A_26, %add3A_33 : i32
      %lt3A = arith.constant 5 : i32
      %lt3A_35 = arith.cmpi slt, %add3A_34, %lt3A : i32
      %convert_element_type3A = arith.extui %lt3A_35 : i1 to i32
      %cond3A = arith.constant 0 : i32
      %cond3A_36 = arith.cmpi ne, %convert_element_type3A, %cond3A : i32
      scf.if %cond3A_36 {
        %sub3A = arith.constant 1 : i32
        %sub3A_49 = arith.subi %sub3A, %rem3A_27 : i32
        %dma_start3A_50 = arith.constant 0 : i32
        %dma_start3A_51 = arith.constant 0 : i32
        %dma_start3A_52 = tpu.memref_slice %arg7[%sub3A_49, %dma_start3A_50, %dma_start3A_51] : memref<2x16x128xi32, #tpu.memory_space<vmem>> -> memref<1x16x128xi32, #tpu.memory_space<vmem>>
        %dma_start3A_53 = tpu.memref_squeeze %dma_start3A_52 : memref<1x16x128xi32, #tpu.memory_space<vmem>> -> memref<16x128xi32, #tpu.memory_space<vmem>>
        %dma_start3A_54 = arith.constant 0 : i32
        %dma_start3A_55 = tpu.memref_slice %arg3[%add3A_32, %dma_start3A_54] : memref<2560x128xi32, #tpu.memory_space<hbm>> -> memref<16x128xi32, #tpu.memory_space<hbm>>
        %dma_start3A_56 = arith.constant 0 : i32
        %dma_start3A_57 = arith.constant 0 : i32
        %dma_start3A_58 = tpu.memref_slice %arg7[%sub3A_49, %dma_start3A_56, %dma_start3A_57] : memref<2x16x128xi32, #tpu.memory_space<vmem>> -> memref<1x16x128xi32, #tpu.memory_space<vmem>>
        %dma_start3A_59 = tpu.memref_squeeze %dma_start3A_58 : memref<1x16x128xi32, #tpu.memory_space<vmem>> -> memref<16x128xi32, #tpu.memory_space<vmem>>
        %dma_start3A_60 = arith.constant 0 : i32
        %dma_start3A_61 = tpu.memref_slice %arg3[%add3A_32, %dma_start3A_60] : memref<2560x128xi32, #tpu.memory_space<hbm>> -> memref<16x128xi32, #tpu.memory_space<hbm>>
        tpu.enqueue_dma source(%dma_start3A_61 : memref<16x128xi32, #tpu.memory_space<hbm>>) target(%dma_start3A_59 : memref<16x128xi32, #tpu.memory_space<vmem>>) target_semaphore(%arg14 : memref<!tpu.dma_semaphore, #tpu.memory_space<semaphore_mem>>)
        %sub3A_62 = arith.constant 1 : i32
        %sub3A_63 = arith.subi %sub3A_62, %rem3A_27 : i32
        %dma_start3A_64 = arith.constant 0 : i32
        %dma_start3A_65 = arith.constant 0 : i32
        %dma_start3A_66 = tpu.memref_slice %arg8[%sub3A_63, %dma_start3A_64, %dma_start3A_65] : memref<2x16x128xi32, #tpu.memory_space<vmem>> -> memref<1x16x128xi32, #tpu.memory_space<vmem>>
        %dma_start3A_67 = tpu.memref_squeeze %dma_start3A_66 : memref<1x16x128xi32, #tpu.memory_space<vmem>> -> memref<16x128xi32, #tpu.memory_space<vmem>>
        %dma_start3A_68 = arith.constant 0 : i32
        %dma_start3A_69 = tpu.memref_slice %arg4[%add3A_32, %dma_start3A_68] : memref<2560x128xi32, #tpu.memory_space<hbm>> -> memref<16x128xi32, #tpu.memory_space<hbm>>
        %dma_start3A_70 = arith.constant 0 : i32
        %dma_start3A_71 = arith.constant 0 : i32
        %dma_start3A_72 = tpu.memref_slice %arg8[%sub3A_63, %dma_start3A_70, %dma_start3A_71] : memref<2x16x128xi32, #tpu.memory_space<vmem>> -> memref<1x16x128xi32, #tpu.memory_space<vmem>>
        %dma_start3A_73 = tpu.memref_squeeze %dma_start3A_72 : memref<1x16x128xi32, #tpu.memory_space<vmem>> -> memref<16x128xi32, #tpu.memory_space<vmem>>
        %dma_start3A_74 = arith.constant 0 : i32
        %dma_start3A_75 = tpu.memref_slice %arg4[%add3A_32, %dma_start3A_74] : memref<2560x128xi32, #tpu.memory_space<hbm>> -> memref<16x128xi32, #tpu.memory_space<hbm>>
        tpu.enqueue_dma source(%dma_start3A_75 : memref<16x128xi32, #tpu.memory_space<hbm>>) target(%dma_start3A_73 : memref<16x128xi32, #tpu.memory_space<vmem>>) target_semaphore(%arg14 : memref<!tpu.dma_semaphore, #tpu.memory_space<semaphore_mem>>)
      } else {
      }
      %scan3A_37 = arith.constant 0 : i32
      %scan3A_38 = arith.constant 8 : i32
      %scan3A_39 = arith.addi %scan3A_37, %scan3A_38 : i32
      %scan3A_40 = arith.constant 1 : i32
      scf.for %scan3A_49 = %scan3A_37 to %scan3A_39 step %scan3A_40  : i32 {
        %mul3A_50 = arith.constant 1 : i32
        %mul3A_51 = arith.muli %scan3A_49, %mul3A_50 : i32
        %add3A_52 = arith.constant 0 : i32
        %add3A_53 = arith.addi %add3A_52, %mul3A_51 : i32
        %mul3A_54 = arith.constant 2 : i32
        %mul3A_55 = arith.muli %add3A_53, %mul3A_54 : i32
        %dma_wait3A = arith.constant 0 : i32
        %dma_wait3A_56 = tpu.memref_slice %arg7[%rem3A_27, %mul3A_55, %dma_wait3A] : memref<2x16x128xi32, #tpu.memory_space<vmem>> -> memref<1x1x128xi32, #tpu.memory_space<vmem>>
        %dma_wait3A_57 = tpu.memref_squeeze %dma_wait3A_56 : memref<1x1x128xi32, #tpu.memory_space<vmem>> -> memref<128xi32, #tpu.memory_space<vmem>>
        %dma_wait3A_58 = arith.constant 0 : i32
        %dma_wait3A_59 = arith.constant 0 : i32
        %dma_wait3A_60 = tpu.memref_slice %arg2[%dma_wait3A_58, %dma_wait3A_59] : memref<10240x128xf32, #tpu.memory_space<hbm>> -> memref<10240x128xf32, #tpu.memory_space<hbm>>
        tpu.wait_indirect_dma semaphore(%arg12 : memref<!tpu.dma_semaphore, #tpu.memory_space<semaphore_mem>>) src(%dma_wait3A_60 : memref<10240x128xf32, #tpu.memory_space<hbm>>) dst(%arg9 : memref<128x128xf32, #tpu.memory_space<vmem>>)
        %add3A_61 = arith.constant 1 : i32
        %add3A_62 = arith.addi %mul3A_55, %add3A_61 : i32
        %dma_start3A_63 = arith.constant 0 : i32
        %dma_start3A_64 = tpu.memref_slice %arg7[%rem3A_27, %add3A_62, %dma_start3A_63] : memref<2x16x128xi32, #tpu.memory_space<vmem>> -> memref<1x1x128xi32, #tpu.memory_space<vmem>>
        %dma_start3A_65 = tpu.memref_squeeze %dma_start3A_64 : memref<1x1x128xi32, #tpu.memory_space<vmem>> -> memref<128xi32, #tpu.memory_space<vmem>>
        %dma_start3A_66 = arith.constant 0 : i32
        %dma_start3A_67 = arith.constant 0 : i32
        %dma_start3A_68 = tpu.memref_slice %arg2[%dma_start3A_66, %dma_start3A_67] : memref<10240x128xf32, #tpu.memory_space<hbm>> -> memref<10240x128xf32, #tpu.memory_space<hbm>>
        tpu.enqueue_indirect_dma source(%dma_start3A_68 : memref<10240x128xf32, #tpu.memory_space<hbm>>) target(%arg10 : memref<128x128xf32, #tpu.memory_space<vmem>>) offsets(%dma_start3A_65 : memref<128xi32, #tpu.memory_space<vmem>>) semaphore(%arg13 : memref<!tpu.dma_semaphore, #tpu.memory_space<semaphore_mem>>)
        "tpu.region"() ({
          %run_scoped3A_86 = tpu.sem_alloc : memref<!tpu.dma_semaphore, #tpu.memory_space<semaphore_mem>>
          %dma_start3A_87 = arith.constant 0 : i32
          %dma_start3A_88 = tpu.memref_slice %arg8[%rem3A_27, %mul3A_55, %dma_start3A_87] : memref<2x16x128xi32, #tpu.memory_space<vmem>> -> memref<1x1x128xi32, #tpu.memory_space<vmem>>
          %dma_start3A_89 = tpu.memref_squeeze %dma_start3A_88 : memref<1x1x128xi32, #tpu.memory_space<vmem>> -> memref<128xi32, #tpu.memory_space<vmem>>
          %dma_start3A_90 = arith.constant 0 : i32
          %dma_start3A_91 = arith.constant 0 : i32
          %dma_start3A_92 = tpu.memref_slice %arg11[%dma_start3A_90, %dma_start3A_91] : memref<10240x128xf32, #tpu.memory_space<vmem_shared>> -> memref<10240x128xf32, #tpu.memory_space<vmem_shared>>
          tpu.enqueue_indirect_dma source(%arg9 : memref<128x128xf32, #tpu.memory_space<vmem>>) target(%dma_start3A_92 : memref<10240x128xf32, #tpu.memory_space<vmem_shared>>) offsets(%dma_start3A_89 : memref<128xi32, #tpu.memory_space<vmem>>) semaphore(%run_scoped3A_86 : memref<!tpu.dma_semaphore, #tpu.memory_space<semaphore_mem>>) {add = true}
          %dma_wait3A_93 = arith.constant 0 : i32
          %dma_wait3A_94 = tpu.memref_slice %arg8[%rem3A_27, %mul3A_55, %dma_wait3A_93] : memref<2x16x128xi32, #tpu.memory_space<vmem>> -> memref<1x1x128xi32, #tpu.memory_space<vmem>>
          %dma_wait3A_95 = tpu.memref_squeeze %dma_wait3A_94 : memref<1x1x128xi32, #tpu.memory_space<vmem>> -> memref<128xi32, #tpu.memory_space<vmem>>
          %dma_wait3A_96 = arith.constant 0 : i32
          %dma_wait3A_97 = arith.constant 0 : i32
          %dma_wait3A_98 = tpu.memref_slice %arg11[%dma_wait3A_96, %dma_wait3A_97] : memref<10240x128xf32, #tpu.memory_space<vmem_shared>> -> memref<10240x128xf32, #tpu.memory_space<vmem_shared>>
          tpu.wait_indirect_dma semaphore(%run_scoped3A_86 : memref<!tpu.dma_semaphore, #tpu.memory_space<semaphore_mem>>) src(%arg9 : memref<128x128xf32, #tpu.memory_space<vmem>>) dst(%dma_wait3A_98 : memref<10240x128xf32, #tpu.memory_space<vmem_shared>>)
          tpu.yield
        }) : () -> ()
        %add3A_69 = arith.constant 1 : i32
        %add3A_70 = arith.addi %mul3A_55, %add3A_69 : i32
        %dma_wait3A_71 = arith.constant 0 : i32
        %dma_wait3A_72 = tpu.memref_slice %arg7[%rem3A_27, %add3A_70, %dma_wait3A_71] : memref<2x16x128xi32, #tpu.memory_space<vmem>> -> memref<1x1x128xi32, #tpu.memory_space<vmem>>
        %dma_wait3A_73 = tpu.memref_squeeze %dma_wait3A_72 : memref<1x1x128xi32, #tpu.memory_space<vmem>> -> memref<128xi32, #tpu.memory_space<vmem>>
        %dma_wait3A_74 = arith.constant 0 : i32
        %dma_wait3A_75 = arith.constant 0 : i32
        %dma_wait3A_76 = tpu.memref_slice %arg2[%dma_wait3A_74, %dma_wait3A_75] : memref<10240x128xf32, #tpu.memory_space<hbm>> -> memref<10240x128xf32, #tpu.memory_space<hbm>>
        tpu.wait_indirect_dma semaphore(%arg13 : memref<!tpu.dma_semaphore, #tpu.memory_space<semaphore_mem>>) src(%dma_wait3A_76 : memref<10240x128xf32, #tpu.memory_space<hbm>>) dst(%arg10 : memref<128x128xf32, #tpu.memory_space<vmem>>)
        %add3A_77 = arith.constant 2 : i32
        %add3A_78 = arith.addi %mul3A_55, %add3A_77 : i32
        %lt3A_79 = arith.constant 16 : i32
        %lt3A_80 = arith.cmpi slt, %add3A_78, %lt3A_79 : i32
        %convert_element_type3A_81 = arith.extui %lt3A_80 : i1 to i32
        %cond3A_82 = arith.constant 0 : i32
        %cond3A_83 = arith.cmpi ne, %convert_element_type3A_81, %cond3A_82 : i32
        scf.if %cond3A_83 {
          %add3A_86 = arith.constant 2 : i32
          %add3A_87 = arith.addi %mul3A_55, %add3A_86 : i32
          %dma_start3A_88 = arith.constant 0 : i32
          %dma_start3A_89 = tpu.memref_slice %arg7[%rem3A_27, %add3A_87, %dma_start3A_88] : memref<2x16x128xi32, #tpu.memory_space<vmem>> -> memref<1x1x128xi32, #tpu.memory_space<vmem>>
          %dma_start3A_90 = tpu.memref_squeeze %dma_start3A_89 : memref<1x1x128xi32, #tpu.memory_space<vmem>> -> memref<128xi32, #tpu.memory_space<vmem>>
          %dma_start3A_91 = arith.constant 0 : i32
          %dma_start3A_92 = arith.constant 0 : i32
          %dma_start3A_93 = tpu.memref_slice %arg2[%dma_start3A_91, %dma_start3A_92] : memref<10240x128xf32, #tpu.memory_space<hbm>> -> memref<10240x128xf32, #tpu.memory_space<hbm>>
          tpu.enqueue_indirect_dma source(%dma_start3A_93 : memref<10240x128xf32, #tpu.memory_space<hbm>>) target(%arg9 : memref<128x128xf32, #tpu.memory_space<vmem>>) offsets(%dma_start3A_90 : memref<128xi32, #tpu.memory_space<vmem>>) semaphore(%arg12 : memref<!tpu.dma_semaphore, #tpu.memory_space<semaphore_mem>>)
        } else {
        }
        %add3A_84 = arith.constant 1 : i32
        %add3A_85 = arith.addi %mul3A_55, %add3A_84 : i32
        "tpu.region"() ({
          %run_scoped3A_86 = tpu.sem_alloc : memref<!tpu.dma_semaphore, #tpu.memory_space<semaphore_mem>>
          %dma_start3A_87 = arith.constant 0 : i32
          %dma_start3A_88 = tpu.memref_slice %arg8[%rem3A_27, %add3A_85, %dma_start3A_87] : memref<2x16x128xi32, #tpu.memory_space<vmem>> -> memref<1x1x128xi32, #tpu.memory_space<vmem>>
          %dma_start3A_89 = tpu.memref_squeeze %dma_start3A_88 : memref<1x1x128xi32, #tpu.memory_space<vmem>> -> memref<128xi32, #tpu.memory_space<vmem>>
          %dma_start3A_90 = arith.constant 0 : i32
          %dma_start3A_91 = arith.constant 0 : i32
          %dma_start3A_92 = tpu.memref_slice %arg11[%dma_start3A_90, %dma_start3A_91] : memref<10240x128xf32, #tpu.memory_space<vmem_shared>> -> memref<10240x128xf32, #tpu.memory_space<vmem_shared>>
          tpu.enqueue_indirect_dma source(%arg10 : memref<128x128xf32, #tpu.memory_space<vmem>>) target(%dma_start3A_92 : memref<10240x128xf32, #tpu.memory_space<vmem_shared>>) offsets(%dma_start3A_89 : memref<128xi32, #tpu.memory_space<vmem>>) semaphore(%run_scoped3A_86 : memref<!tpu.dma_semaphore, #tpu.memory_space<semaphore_mem>>) {add = true}
          %dma_wait3A_93 = arith.constant 0 : i32
          %dma_wait3A_94 = tpu.memref_slice %arg8[%rem3A_27, %add3A_85, %dma_wait3A_93] : memref<2x16x128xi32, #tpu.memory_space<vmem>> -> memref<1x1x128xi32, #tpu.memory_space<vmem>>
          %dma_wait3A_95 = tpu.memref_squeeze %dma_wait3A_94 : memref<1x1x128xi32, #tpu.memory_space<vmem>> -> memref<128xi32, #tpu.memory_space<vmem>>
          %dma_wait3A_96 = arith.constant 0 : i32
          %dma_wait3A_97 = arith.constant 0 : i32
          %dma_wait3A_98 = tpu.memref_slice %arg11[%dma_wait3A_96, %dma_wait3A_97] : memref<10240x128xf32, #tpu.memory_space<vmem_shared>> -> memref<10240x128xf32, #tpu.memory_space<vmem_shared>>
          tpu.wait_indirect_dma semaphore(%run_scoped3A_86 : memref<!tpu.dma_semaphore, #tpu.memory_space<semaphore_mem>>) src(%arg10 : memref<128x128xf32, #tpu.memory_space<vmem>>) dst(%dma_wait3A_98 : memref<10240x128xf32, #tpu.memory_space<vmem_shared>>)
          tpu.yield
        }) : () -> ()
      }
      %scan3A_41 = arith.constant 8 : i32
      %add3A_42 = arith.constant 1 : i32
      %add3A_43 = arith.addi %add3A_26, %add3A_42 : i32
      %lt3A_44 = arith.constant 5 : i32
      %lt3A_45 = arith.cmpi slt, %add3A_43, %lt3A_44 : i32
      %convert_element_type3A_46 = arith.extui %lt3A_45 : i1 to i32
      %cond3A_47 = arith.constant 0 : i32
      %cond3A_48 = arith.cmpi ne, %convert_element_type3A_46, %cond3A_47 : i32
      scf.if %cond3A_48 {
        %sub3A = arith.constant 1 : i32
        %sub3A_49 = arith.subi %sub3A, %rem3A_27 : i32
        %dma_wait3A = arith.constant 0 : i32
        %dma_wait3A_50 = arith.constant 0 : i32
        %dma_wait3A_51 = tpu.memref_slice %arg7[%sub3A_49, %dma_wait3A, %dma_wait3A_50] : memref<2x16x128xi32, #tpu.memory_space<vmem>> -> memref<1x16x128xi32, #tpu.memory_space<vmem>>
        %dma_wait3A_52 = tpu.memref_squeeze %dma_wait3A_51 : memref<1x16x128xi32, #tpu.memory_space<vmem>> -> memref<16x128xi32, #tpu.memory_space<vmem>>
        %dma_wait3A_53 = arith.constant 0 : i32
        %dma_wait3A_54 = tpu.memref_slice %arg3[%add3A_32, %dma_wait3A_53] : memref<2560x128xi32, #tpu.memory_space<hbm>> -> memref<16x128xi32, #tpu.memory_space<hbm>>
        %dma_wait3A_55 = arith.constant 0 : i32
        %dma_wait3A_56 = arith.constant 0 : i32
        %dma_wait3A_57 = tpu.memref_slice %arg7[%sub3A_49, %dma_wait3A_55, %dma_wait3A_56] : memref<2x16x128xi32, #tpu.memory_space<vmem>> -> memref<1x16x128xi32, #tpu.memory_space<vmem>>
        %dma_wait3A_58 = tpu.memref_squeeze %dma_wait3A_57 : memref<1x16x128xi32, #tpu.memory_space<vmem>> -> memref<16x128xi32, #tpu.memory_space<vmem>>
        %dma_wait3A_59 = arith.constant 0 : i32
        %dma_wait3A_60 = tpu.memref_slice %arg3[%add3A_32, %dma_wait3A_59] : memref<2560x128xi32, #tpu.memory_space<hbm>> -> memref<16x128xi32, #tpu.memory_space<hbm>>
        tpu.wait_dma2 semaphore(%arg14 : memref<!tpu.dma_semaphore, #tpu.memory_space<semaphore_mem>>) src(%dma_wait3A_60 : memref<16x128xi32, #tpu.memory_space<hbm>>) dst(%dma_wait3A_58 : memref<16x128xi32, #tpu.memory_space<vmem>>)
        %sub3A_61 = arith.constant 1 : i32
        %sub3A_62 = arith.subi %sub3A_61, %rem3A_27 : i32
        %dma_wait3A_63 = arith.constant 0 : i32
        %dma_wait3A_64 = arith.constant 0 : i32
        %dma_wait3A_65 = tpu.memref_slice %arg8[%sub3A_62, %dma_wait3A_63, %dma_wait3A_64] : memref<2x16x128xi32, #tpu.memory_space<vmem>> -> memref<1x16x128xi32, #tpu.memory_space<vmem>>
        %dma_wait3A_66 = tpu.memref_squeeze %dma_wait3A_65 : memref<1x16x128xi32, #tpu.memory_space<vmem>> -> memref<16x128xi32, #tpu.memory_space<vmem>>
        %dma_wait3A_67 = arith.constant 0 : i32
        %dma_wait3A_68 = tpu.memref_slice %arg4[%add3A_32, %dma_wait3A_67] : memref<2560x128xi32, #tpu.memory_space<hbm>> -> memref<16x128xi32, #tpu.memory_space<hbm>>
        %dma_wait3A_69 = arith.constant 0 : i32
        %dma_wait3A_70 = arith.constant 0 : i32
        %dma_wait3A_71 = tpu.memref_slice %arg8[%sub3A_62, %dma_wait3A_69, %dma_wait3A_70] : memref<2x16x128xi32, #tpu.memory_space<vmem>> -> memref<1x16x128xi32, #tpu.memory_space<vmem>>
        %dma_wait3A_72 = tpu.memref_squeeze %dma_wait3A_71 : memref<1x16x128xi32, #tpu.memory_space<vmem>> -> memref<16x128xi32, #tpu.memory_space<vmem>>
        %dma_wait3A_73 = arith.constant 0 : i32
        %dma_wait3A_74 = tpu.memref_slice %arg4[%add3A_32, %dma_wait3A_73] : memref<2560x128xi32, #tpu.memory_space<hbm>> -> memref<16x128xi32, #tpu.memory_space<hbm>>
        tpu.wait_dma2 semaphore(%arg14 : memref<!tpu.dma_semaphore, #tpu.memory_space<semaphore_mem>>) src(%dma_wait3A_74 : memref<16x128xi32, #tpu.memory_space<hbm>>) dst(%dma_wait3A_72 : memref<16x128xi32, #tpu.memory_space<vmem>>)
        %sub3A_75 = arith.constant 1 : i32
        %sub3A_76 = arith.subi %sub3A_75, %rem3A_27 : i32
        %dma_start3A_77 = arith.constant 0 : i32
        %dma_start3A_78 = arith.constant 0 : i32
        %dma_start3A_79 = tpu.memref_slice %arg7[%sub3A_76, %dma_start3A_77, %dma_start3A_78] : memref<2x16x128xi32, #tpu.memory_space<vmem>> -> memref<1x1x128xi32, #tpu.memory_space<vmem>>
        %dma_start3A_80 = tpu.memref_squeeze %dma_start3A_79 : memref<1x1x128xi32, #tpu.memory_space<vmem>> -> memref<128xi32, #tpu.memory_space<vmem>>
        %dma_start3A_81 = arith.constant 0 : i32
        %dma_start3A_82 = arith.constant 0 : i32
        %dma_start3A_83 = tpu.memref_slice %arg2[%dma_start3A_81, %dma_start3A_82] : memref<10240x128xf32, #tpu.memory_space<hbm>> -> memref<10240x128xf32, #tpu.memory_space<hbm>>
        tpu.enqueue_indirect_dma source(%dma_start3A_83 : memref<10240x128xf32, #tpu.memory_space<hbm>>) target(%arg9 : memref<128x128xf32, #tpu.memory_space<vmem>>) offsets(%dma_start3A_80 : memref<128xi32, #tpu.memory_space<vmem>>) semaphore(%arg12 : memref<!tpu.dma_semaphore, #tpu.memory_space<semaphore_mem>>)
      } else {
      }
    }
    %scan3A_16 = arith.constant 5 : i32
    %barrier3A_17 = arith.constant 0 : index
    tpu.barrier barrier_id(%barrier3A_17)
    %mul3A_18 = arith.constant 640 : i32
    %mul3A_19 = arith.muli %arg1, %mul3A_18 : i32
    %mul3A_20 = arith.constant 640 : i32
    %mul3A_21 = arith.muli %arg1, %mul3A_20 : i32
    "tpu.region"() ({
      %run_scoped3A_22 = tpu.sem_alloc : memref<!tpu.dma_semaphore, #tpu.memory_space<semaphore_mem>>
      %dma_start3A_23 = arith.constant 0 : i32
      %dma_start3A_24 = tpu.memref_slice %arg6[%arg0, %mul3A_21, %dma_start3A_23] : memref<2x10240x128xf32, #tpu.memory_space<hbm>> -> memref<1x640x128xf32, #tpu.memory_space<hbm>>
      %dma_start3A_25 = tpu.memref_squeeze %dma_start3A_24 : memref<1x640x128xf32, #tpu.memory_space<hbm>> -> memref<640x128xf32, #tpu.memory_space<hbm>>
      %dma_start3A_26 = arith.constant 0 : i32
      %dma_start3A_27 = tpu.memref_slice %arg11[%mul3A_19, %dma_start3A_26] : memref<10240x128xf32, #tpu.memory_space<vmem_shared>> -> memref<640x128xf32, #tpu.memory_space<vmem_shared>>
      tpu.enqueue_dma source(%dma_start3A_27 : memref<640x128xf32, #tpu.memory_space<vmem_shared>>) target(%dma_start3A_25 : memref<640x128xf32, #tpu.memory_space<hbm>>) target_semaphore(%run_scoped3A_22 : memref<!tpu.dma_semaphore, #tpu.memory_space<semaphore_mem>>)
      %dma_wait3A = arith.constant 0 : i32
      %dma_wait3A_28 = tpu.memref_slice %arg6[%arg0, %mul3A_21, %dma_wait3A] : memref<2x10240x128xf32, #tpu.memory_space<hbm>> -> memref<1x640x128xf32, #tpu.memory_space<hbm>>
      %dma_wait3A_29 = tpu.memref_squeeze %dma_wait3A_28 : memref<1x640x128xf32, #tpu.memory_space<hbm>> -> memref<640x128xf32, #tpu.memory_space<hbm>>
      %dma_wait3A_30 = arith.constant 0 : i32
      %dma_wait3A_31 = tpu.memref_slice %arg11[%mul3A_19, %dma_wait3A_30] : memref<10240x128xf32, #tpu.memory_space<vmem_shared>> -> memref<640x128xf32, #tpu.memory_space<vmem_shared>>
      tpu.wait_dma2 semaphore(%run_scoped3A_22 : memref<!tpu.dma_semaphore, #tpu.memory_space<semaphore_mem>>) src(%dma_wait3A_31 : memref<640x128xf32, #tpu.memory_space<vmem_shared>>) dst(%dma_wait3A_29 : memref<640x128xf32, #tpu.memory_space<hbm>>)
      tpu.yield
    }) : () -> ()
    return
  }
}

module attributes {stable_mosaic.version = 14 : i64} {
  func.func @_prep_body(%arg0: i32, %arg1: memref<2048x128xf32, #tpu.memory_space<vmem>>, %arg2: memref<2x16x2048xf32, #tpu.memory_space<vmem>>, %arg3: memref<2x16x2048xf32, #tpu.memory_space<vmem>>, %arg4: memref<2048x128xf32, #tpu.memory_space<vmem>>, %arg5: memref<2048x1xf32, #tpu.memory_space<vmem>>, %arg6: memref<2048x1xf32, #tpu.memory_space<vmem>>) attributes {dimension_semantics = [#tpu.dimension_semantics<arbitrary>], iteration_bounds = array<i64: 5>, scalar_prefetch = 0 : i64, scratch_operands = 0 : i64, tpu.core_type = #tpu.core_type<tc>, window_params = [{transform_indices = @transform_0, window_bounds = array<i64: 2048, 128>}, {transform_indices = @transform_1, window_bounds = array<i64: 2, 16, 2048>}, {transform_indices = @transform_2, window_bounds = array<i64: 2, 16, 2048>}, {transform_indices = @transform_3, window_bounds = array<i64: 2048, 128>}, {transform_indices = @transform_4, window_bounds = array<i64: 2048, 1>}, {transform_indices = @transform_5, window_bounds = array<i64: 2048, 1>}]} {
    %get3A = arith.constant 0 : index
    %get3A_0 = arith.constant 0 : index
    %get3A_1 = arith.constant 0 : index
    %get3A_2 = vector.load %arg2[%get3A, %get3A_0, %get3A_1] : memref<2x16x2048xf32, #tpu.memory_space<vmem>>, vector<2x16x2048xf32>
    %reduce_sum3A = arith.constant dense<0.000000e+00> : vector<2048xf32>
    %reduce_sum3A_3 = vector.multi_reduction <add>, %get3A_2, %reduce_sum3A [0, 1] : vector<2x16x2048xf32> to vector<2048xf32>
    %broadcast_in_dim3A = vector.shape_cast %reduce_sum3A_3 : vector<2048xf32> to vector<2048x1xf32>
    %get3A_4 = arith.constant 0 : index
    %get3A_5 = arith.constant 0 : index
    %get3A_6 = arith.constant 0 : index
    %get3A_7 = vector.load %arg3[%get3A_4, %get3A_5, %get3A_6] : memref<2x16x2048xf32, #tpu.memory_space<vmem>>, vector<2x16x2048xf32>
    %reduce_sum3A_8 = arith.constant dense<0.000000e+00> : vector<2048xf32>
    %reduce_sum3A_9 = vector.multi_reduction <add>, %get3A_7, %reduce_sum3A_8 [0, 1] : vector<2x16x2048xf32> to vector<2048xf32>
    %broadcast_in_dim3A_10 = vector.shape_cast %reduce_sum3A_9 : vector<2048xf32> to vector<2048x1xf32>
    %gt3A = arith.constant 0.000000e+00 : f32
    %gt3A_11 = vector.broadcast %gt3A : f32 to vector<2048x1xf32>
    %gt3A_12 = arith.cmpf ogt, %broadcast_in_dim3A, %gt3A_11 : vector<2048x1xf32>
    %max3A = arith.constant 1.000000e+00 : f32
    %max3A_13 = vector.broadcast %max3A : f32 to vector<2048x1xf32>
    %max3A_14 = arith.maximumf %broadcast_in_dim3A, %max3A_13 : vector<2048x1xf32>
    %rsqrt3A = math.rsqrt %max3A_14 : vector<2048x1xf32>
    %jit3A = arith.constant 0.000000e+00 : f32
    %broadcast_in_dim3A_15 = vector.broadcast %jit3A : f32 to vector<2048x1xf32>
    %select_n3A = arith.select %gt3A_12, %rsqrt3A, %broadcast_in_dim3A_15 : vector<2048x1xi1>, vector<2048x1xf32>
    %gt3A_16 = arith.constant 0.000000e+00 : f32
    %gt3A_17 = vector.broadcast %gt3A_16 : f32 to vector<2048x1xf32>
    %gt3A_18 = arith.cmpf ogt, %broadcast_in_dim3A_10, %gt3A_17 : vector<2048x1xf32>
    %max3A_19 = arith.constant 1.000000e+00 : f32
    %max3A_20 = vector.broadcast %max3A_19 : f32 to vector<2048x1xf32>
    %max3A_21 = arith.maximumf %broadcast_in_dim3A_10, %max3A_20 : vector<2048x1xf32>
    %rsqrt3A_22 = math.rsqrt %max3A_21 : vector<2048x1xf32>
    %jit3A_23 = arith.constant 0.000000e+00 : f32
    %broadcast_in_dim3A_24 = vector.broadcast %jit3A_23 : f32 to vector<2048x1xf32>
    %select_n3A_25 = arith.select %gt3A_18, %rsqrt3A_22, %broadcast_in_dim3A_24 : vector<2048x1xi1>, vector<2048x1xf32>
    %swap3A = arith.constant 0 : index
    %swap3A_26 = arith.constant 0 : index
    %swap3A_27 = vector.load %arg5[%swap3A, %swap3A_26] : memref<2048x1xf32, #tpu.memory_space<vmem>>, vector<2048x1xf32>
    tpu.vector_store %arg5[%swap3A, %swap3A_26], %select_n3A {strides = array<i32>} : memref<2048x1xf32, #tpu.memory_space<vmem>>, vector<2048x1xf32>,
    %swap3A_28 = arith.constant 0 : index
    %swap3A_29 = arith.constant 0 : index
    %swap3A_30 = vector.load %arg6[%swap3A_28, %swap3A_29] : memref<2048x1xf32, #tpu.memory_space<vmem>>, vector<2048x1xf32>
    tpu.vector_store %arg6[%swap3A_28, %swap3A_29], %select_n3A_25 {strides = array<i32>} : memref<2048x1xf32, #tpu.memory_space<vmem>>, vector<2048x1xf32>,
    %get3A_31 = arith.constant 0 : index
    %get3A_32 = arith.constant 0 : index
    %get3A_33 = vector.load %arg1[%get3A_31, %get3A_32] : memref<2048x128xf32, #tpu.memory_space<vmem>>, vector<2048x128xf32>
    %mul3A = vector.broadcast %select_n3A : vector<2048x1xf32> to vector<2048x128xf32>
    %mul3A_34 = arith.mulf %get3A_33, %mul3A : vector<2048x128xf32>
    %swap3A_35 = arith.constant 0 : index
    %swap3A_36 = arith.constant 0 : index
    %swap3A_37 = vector.load %arg4[%swap3A_35, %swap3A_36] : memref<2048x128xf32, #tpu.memory_space<vmem>>, vector<2048x128xf32>
    tpu.vector_store %arg4[%swap3A_35, %swap3A_36], %mul3A_34 {strides = array<i32>} : memref<2048x128xf32, #tpu.memory_space<vmem>>, vector<2048x128xf32>,
    return
  }
  func.func @transform_0(%arg0: i32) -> (i32, i32) {
    %c0_i32 = arith.constant 0 : i32
    %c0_i32_0 = arith.constant 0 : i32
    return %arg0, %c0_i32 : i32, i32
  }
  func.func @transform_1(%arg0: i32) -> (i32, i32, i32) {
    %c0_i32 = arith.constant 0 : i32
    %c0_i32_0 = arith.constant 0 : i32
    %c0_i32_1 = arith.constant 0 : i32
    return %c0_i32, %c0_i32_0, %arg0 : i32, i32, i32
  }
  func.func @transform_2(%arg0: i32) -> (i32, i32, i32) {
    %c0_i32 = arith.constant 0 : i32
    %c0_i32_0 = arith.constant 0 : i32
    %c0_i32_1 = arith.constant 0 : i32
    return %c0_i32, %c0_i32_0, %arg0 : i32, i32, i32
  }
  func.func @transform_3(%arg0: i32) -> (i32, i32) {
    %c0_i32 = arith.constant 0 : i32
    %c0_i32_0 = arith.constant 0 : i32
    return %arg0, %c0_i32 : i32, i32
  }
  func.func @transform_4(%arg0: i32) -> (i32, i32) {
    %c0_i32 = arith.constant 0 : i32
    %c0_i32_0 = arith.constant 0 : i32
    return %arg0, %c0_i32 : i32, i32
  }
  func.func @transform_5(%arg0: i32) -> (i32, i32) {
    %c0_i32 = arith.constant 0 : i32
    %c0_i32_0 = arith.constant 0 : i32
    return %arg0, %c0_i32 : i32, i32
  }
}

module attributes {stable_mosaic.version = 14 : i64} {
  func.func @_mid_body(%arg0: i32, %arg1: memref<2x2048x128xf32, #tpu.memory_space<vmem>>, %arg2: memref<2048x1xf32, #tpu.memory_space<vmem>>, %arg3: memref<2048x1xf32, #tpu.memory_space<vmem>>, %arg4: memref<128x128xf32, #tpu.memory_space<vmem>>, %arg5: memref<1x128xf32, #tpu.memory_space<vmem>>, %arg6: memref<2048x128xf32, #tpu.memory_space<vmem>>) attributes {dimension_semantics = [#tpu.dimension_semantics<arbitrary>], iteration_bounds = array<i64: 5>, scalar_prefetch = 0 : i64, scratch_operands = 0 : i64, tpu.core_type = #tpu.core_type<tc>, window_params = [{transform_indices = @transform_0, window_bounds = array<i64: 2, 2048, 128>}, {transform_indices = @transform_1, window_bounds = array<i64: 2048, 1>}, {transform_indices = @transform_2, window_bounds = array<i64: 2048, 1>}, {pipeline_mode = #tpu.pipeline_mode<synchronous>, transform_indices = @transform_3, window_bounds = array<i64: 128, 128>}, {pipeline_mode = #tpu.pipeline_mode<synchronous>, transform_indices = @transform_4, window_bounds = array<i64: 1, 128>}, {transform_indices = @transform_5, window_bounds = array<i64: 2048, 128>}]} {
    %get3A = arith.constant 0 : index
    %get3A_0 = arith.constant 0 : index
    %get3A_1 = arith.constant 0 : index
    %get3A_2 = vector.load %arg1[%get3A, %get3A_0, %get3A_1] : memref<2x2048x128xf32, #tpu.memory_space<vmem>>, vector<1x2048x128xf32>
    %get3A_3 = vector.shape_cast %get3A_2 : vector<1x2048x128xf32> to vector<2048x128xf32>
    %get3A_4 = arith.constant 1 : index
    %get3A_5 = arith.constant 0 : index
    %get3A_6 = arith.constant 0 : index
    %get3A_7 = vector.load %arg1[%get3A_4, %get3A_5, %get3A_6] : memref<2x2048x128xf32, #tpu.memory_space<vmem>>, vector<1x2048x128xf32>
    %get3A_8 = vector.shape_cast %get3A_7 : vector<1x2048x128xf32> to vector<2048x128xf32>
    %add3A = arith.addf %get3A_3, %get3A_8 : vector<2048x128xf32>
    %get3A_9 = arith.constant 0 : index
    %get3A_10 = arith.constant 0 : index
    %get3A_11 = vector.load %arg2[%get3A_9, %get3A_10] : memref<2048x1xf32, #tpu.memory_space<vmem>>, vector<2048x1xf32>
    %mul3A = vector.broadcast %get3A_11 : vector<2048x1xf32> to vector<2048x128xf32>
    %mul3A_12 = arith.mulf %add3A, %mul3A : vector<2048x128xf32>
    %get3A_13 = arith.constant 0 : index
    %get3A_14 = arith.constant 0 : index
    %get3A_15 = vector.load %arg4[%get3A_13, %get3A_14] : memref<128x128xf32, #tpu.memory_space<vmem>>, vector<128x128xf32>
    %dot_general3A = arith.constant dense<0.000000e+00> : vector<2048x128xf32>
    %dot_general3A_16 = tpu.matmul %mul3A_12, %get3A_15, %dot_general3A {dimension_numbers = #tpu.dot_dimension_numbers<[1], [0], [0], [1], [0, 0, 1, 1], [], []>, transpose_lhs_hint = false} : vector<2048x128xf32>, vector<128x128xf32>, vector<2048x128xf32> -> vector<2048x128xf32>
    %get3A_17 = arith.constant 0 : index
    %get3A_18 = arith.constant 0 : index
    %get3A_19 = vector.load %arg5[%get3A_17, %get3A_18] : memref<1x128xf32, #tpu.memory_space<vmem>>, vector<1x128xf32>
    %add3A_20 = vector.broadcast %get3A_19 : vector<1x128xf32> to vector<2048x128xf32>
    %add3A_21 = arith.addf %dot_general3A_16, %add3A_20 : vector<2048x128xf32>
    %max3A = arith.constant 0.000000e+00 : f32
    %max3A_22 = vector.broadcast %max3A : f32 to vector<2048x128xf32>
    %max3A_23 = arith.maximumf %add3A_21, %max3A_22 : vector<2048x128xf32>
    %get3A_24 = arith.constant 0 : index
    %get3A_25 = arith.constant 0 : index
    %get3A_26 = vector.load %arg3[%get3A_24, %get3A_25] : memref<2048x1xf32, #tpu.memory_space<vmem>>, vector<2048x1xf32>
    %mul3A_27 = vector.broadcast %get3A_26 : vector<2048x1xf32> to vector<2048x128xf32>
    %mul3A_28 = arith.mulf %max3A_23, %mul3A_27 : vector<2048x128xf32>
    %swap3A = arith.constant 0 : index
    %swap3A_29 = arith.constant 0 : index
    %swap3A_30 = vector.load %arg6[%swap3A, %swap3A_29] : memref<2048x128xf32, #tpu.memory_space<vmem>>, vector<2048x128xf32>
    tpu.vector_store %arg6[%swap3A, %swap3A_29], %mul3A_28 {strides = array<i32>} : memref<2048x128xf32, #tpu.memory_space<vmem>>, vector<2048x128xf32>,
    return
  }
  func.func @transform_0(%arg0: i32) -> (i32, i32, i32) {
    %c0_i32 = arith.constant 0 : i32
    %c0_i32_0 = arith.constant 0 : i32
    %c0_i32_1 = arith.constant 0 : i32
    return %c0_i32, %arg0, %c0_i32_0 : i32, i32, i32
  }
  func.func @transform_1(%arg0: i32) -> (i32, i32) {
    %c0_i32 = arith.constant 0 : i32
    %c0_i32_0 = arith.constant 0 : i32
    return %arg0, %c0_i32 : i32, i32
  }
  func.func @transform_2(%arg0: i32) -> (i32, i32) {
    %c0_i32 = arith.constant 0 : i32
    %c0_i32_0 = arith.constant 0 : i32
    return %arg0, %c0_i32 : i32, i32
  }
  func.func @transform_3(%arg0: i32) -> (i32, i32) {
    %c0_i32 = arith.constant 0 : i32
    %c0_i32_0 = arith.constant 0 : i32
    %c0_i32_1 = arith.constant 0 : i32
    return %c0_i32, %c0_i32_0 : i32, i32
  }
  func.func @transform_4(%arg0: i32) -> (i32, i32) {
    %c0_i32 = arith.constant 0 : i32
    %c0_i32_0 = arith.constant 0 : i32
    %c0_i32_1 = arith.constant 0 : i32
    return %c0_i32, %c0_i32_0 : i32, i32
  }
  func.func @transform_5(%arg0: i32) -> (i32, i32) {
    %c0_i32 = arith.constant 0 : i32
    %c0_i32_0 = arith.constant 0 : i32
    return %arg0, %c0_i32 : i32, i32
  }
}

module attributes {stable_mosaic.version = 14 : i64} {
  func.func @_final_body(%arg0: i32, %arg1: memref<2x2000x128xf32, #tpu.memory_space<vmem>>, %arg2: memref<2000x1xf32, #tpu.memory_space<vmem>>, %arg3: memref<128x128xf32, #tpu.memory_space<vmem>>, %arg4: memref<1x128xf32, #tpu.memory_space<vmem>>, %arg5: memref<2000x128xf32, #tpu.memory_space<vmem>>) attributes {dimension_semantics = [#tpu.dimension_semantics<arbitrary>], iteration_bounds = array<i64: 5>, scalar_prefetch = 0 : i64, scratch_operands = 0 : i64, tpu.core_type = #tpu.core_type<tc>, window_params = [{transform_indices = @transform_0, window_bounds = array<i64: 2, 2000, 128>}, {transform_indices = @transform_1, window_bounds = array<i64: 2000, 1>}, {pipeline_mode = #tpu.pipeline_mode<synchronous>, transform_indices = @transform_2, window_bounds = array<i64: 128, 128>}, {pipeline_mode = #tpu.pipeline_mode<synchronous>, transform_indices = @transform_3, window_bounds = array<i64: 1, 128>}, {transform_indices = @transform_4, window_bounds = array<i64: 2000, 128>}]} {
    %get3A = arith.constant 0 : index
    %get3A_0 = arith.constant 0 : index
    %get3A_1 = arith.constant 0 : index
    %get3A_2 = vector.load %arg1[%get3A, %get3A_0, %get3A_1] : memref<2x2000x128xf32, #tpu.memory_space<vmem>>, vector<1x2000x128xf32>
    %get3A_3 = vector.shape_cast %get3A_2 : vector<1x2000x128xf32> to vector<2000x128xf32>
    %get3A_4 = arith.constant 1 : index
    %get3A_5 = arith.constant 0 : index
    %get3A_6 = arith.constant 0 : index
    %get3A_7 = vector.load %arg1[%get3A_4, %get3A_5, %get3A_6] : memref<2x2000x128xf32, #tpu.memory_space<vmem>>, vector<1x2000x128xf32>
    %get3A_8 = vector.shape_cast %get3A_7 : vector<1x2000x128xf32> to vector<2000x128xf32>
    %add3A = arith.addf %get3A_3, %get3A_8 : vector<2000x128xf32>
    %get3A_9 = arith.constant 0 : index
    %get3A_10 = arith.constant 0 : index
    %get3A_11 = vector.load %arg2[%get3A_9, %get3A_10] : memref<2000x1xf32, #tpu.memory_space<vmem>>, vector<2000x1xf32>
    %mul3A = vector.broadcast %get3A_11 : vector<2000x1xf32> to vector<2000x128xf32>
    %mul3A_12 = arith.mulf %add3A, %mul3A : vector<2000x128xf32>
    %get3A_13 = arith.constant 0 : index
    %get3A_14 = arith.constant 0 : index
    %get3A_15 = vector.load %arg3[%get3A_13, %get3A_14] : memref<128x128xf32, #tpu.memory_space<vmem>>, vector<128x128xf32>
    %dot_general3A = arith.constant dense<0.000000e+00> : vector<2000x128xf32>
    %dot_general3A_16 = tpu.matmul %mul3A_12, %get3A_15, %dot_general3A {dimension_numbers = #tpu.dot_dimension_numbers<[1], [0], [0], [1], [0, 0, 1, 1], [], []>, transpose_lhs_hint = false} : vector<2000x128xf32>, vector<128x128xf32>, vector<2000x128xf32> -> vector<2000x128xf32>
    %get3A_17 = arith.constant 0 : index
    %get3A_18 = arith.constant 0 : index
    %get3A_19 = vector.load %arg4[%get3A_17, %get3A_18] : memref<1x128xf32, #tpu.memory_space<vmem>>, vector<1x128xf32>
    %add3A_20 = vector.broadcast %get3A_19 : vector<1x128xf32> to vector<2000x128xf32>
    %add3A_21 = arith.addf %dot_general3A_16, %add3A_20 : vector<2000x128xf32>
    %swap3A = arith.constant 0 : index
    %swap3A_22 = arith.constant 0 : index
    %swap3A_23 = vector.load %arg5[%swap3A, %swap3A_22] : memref<2000x128xf32, #tpu.memory_space<vmem>>, vector<2000x128xf32>
    tpu.vector_store %arg5[%swap3A, %swap3A_22], %add3A_21 {strides = array<i32>} : memref<2000x128xf32, #tpu.memory_space<vmem>>, vector<2000x128xf32>,
    return
  }
  func.func @transform_0(%arg0: i32) -> (i32, i32, i32) {
    %c0_i32 = arith.constant 0 : i32
    %c0_i32_0 = arith.constant 0 : i32
    %c0_i32_1 = arith.constant 0 : i32
    return %c0_i32, %arg0, %c0_i32_0 : i32, i32, i32
  }
  func.func @transform_1(%arg0: i32) -> (i32, i32) {
    %c0_i32 = arith.constant 0 : i32
    %c0_i32_0 = arith.constant 0 : i32
    return %arg0, %c0_i32 : i32, i32
  }
  func.func @transform_2(%arg0: i32) -> (i32, i32) {
    %c0_i32 = arith.constant 0 : i32
    %c0_i32_0 = arith.constant 0 : i32
    %c0_i32_1 = arith.constant 0 : i32
    return %c0_i32, %c0_i32_0 : i32, i32
  }
  func.func @transform_3(%arg0: i32) -> (i32, i32) {
    %c0_i32 = arith.constant 0 : i32
    %c0_i32_0 = arith.constant 0 : i32
    %c0_i32_1 = arith.constant 0 : i32
    return %c0_i32, %c0_i32_0 : i32, i32
  }
  func.func @transform_4(%arg0: i32) -> (i32, i32) {
    %c0_i32 = arith.constant 0 : i32
    %c0_i32_0 = arith.constant 0 : i32
    return %arg0, %c0_i32 : i32, i32
  }
}

</mosaic_0001>

<sc_bundles>
// kernel: kernel.11.cloned.1.call-start
scs
__scs_entry_jumppad:
0x0: {  	(pc) =	sbr.rel $0x88, $3  }
0x1: {  	(tag) =	ssettag $0x0;
	lr =	simm.s32 $0x1  }
0x2: {  	[smem:$0x3F9B] =	sst lr;
	_ =	strace $0xD0000000  }
0x3: {  	_ = 	snop  }
0x4: {  	_ = 	snop  }
0x5: {  	_ = 	snop  }
0x6: {  	_ = 	snop  }
0x7: {  	_ = 	snop  }
__scs_overlays_trampoline_lowered:
0x8: {  	[smem:$0x3FAA] =	sst s0  }
0x9: {  	[smem:$0x3FAB] =	sst s1  }
0xa: {  	[smem:$0x3FAC] =	sst s2  }
0xb: {  	[smem:$0x3FAD] =	sst s3  }
0xc: {  	[smem:$0x3FAE] =	sst s4  }
0xd: {  	[smem:$0x3FAF] =	sst s5  }
0xe: {  	[smem:$0x3FB0] =	sst s6  }
0xf: {  	[smem:$0x3FB1] =	sst s7  }
0x10: {  	[smem:$0x3FB2] =	sst s8  }
0x11: {  	[smem:$0x3FB3] =	sst s9;
	s0 =	simm.s32 @!p0 $0x0  }
0x12: {  	s1 =	sld [smem:$0x3F99];
	s0 =	simm.s32 @p0 $0x1  }
0x13: {  	[smem:$0x3FB4] =	sst s0;
	s0 =	simm.s32 @!p1 $0x0  }
0x14: {  	s2 =	sld [smem:$0x3F98];
	s0 =	simm.s32 @p1 $0x1  }
0x15: {  	[smem:$0x3FB5] =	sst s0;
	s0 =	simm.s32 @!p2 $0x0  }
0x16: {  	s3 =	sld [smem:$0x3FDB];
	s0 =	simm.s32 @p2 $0x1  }
0x17: {  	s4 =	simm.s32 $0x1BF5;
	[smem:$0x3FB7] =	sst s0  }
0x18: {  	s0 =	sld [smem:$0x3F9A];
	_ =	swait.ge [sflag:s4], $0x0  }
0x19: {  	s7 =	sld [smem:$0x3F9B]  }
0x1a: {  	s8 =	sadd.s32 $0xFFFFE003, lr  }
0x1b: {  	s9 =	sadd.s32 $0xFFFFFEF7, lr;
	s5 =	simm.s32 $0xFFFFFFFF;
	p2 =	slt.u32 s8, $0xFFFFF086  }
0x1c: {  	p1 =	slt.u32 s9, $0xF7A;
	s5 =	simm.s32 @!p2 $0x0  }
0x1d: {  	s5 =	simm.s32 @p1 $0x1;
	p0 =	seq.s32 s7, s2  }
0x1e: {  	s7 =	smul.u32 @!p0 $0xF7A, s2;
	p2 =	seq.s32 @!p0 s5, $0x0  }
0x1f: {  	s9 =	smul.u32 $0xF7A, s1;
	s8 =	simm.s32 @!p0 $0x1BF5;
	p2 =	por !p2, p0  }
0x20: {  	[sflag:s8] =	ssyncset.s32 @!p0 $0xFFFFF086;
	s6 =	sadd.s32 @!p0 s3, s7;
	s7 =	simm.s32 @!p0 $0x108  }
0x21: {  	s3 =	sadd.s32 s3, s9;
	s6 =	sadd.s32 @!p0 $0x88, s6;
	s7 =	simm.s32 @p2 $0x1082  }
0x22: {  	[simem:s7], [sflag:s8] =	dma.local @!p0 [hbm:s6], $0xF7A  }
0x23: {  	s9 =	sor.u32 $0xD0000000, s2;
	s6 =	simm.s32 $0x108;
	_ =	swait.ge @!p0 [sflag:s8], $0x0  }
0x24: {  	s3 =	sadd.s32 $0x88, s3;
	s6 =	simm.s32 @!p1 $0x1082;
	[sflag:s4] =	ssyncset.s32 $0xFFFFF086  }
0x25: {  	[simem:s6], [sflag:s4] =	dma.local [hbm:s3], $0xF7A  }
0x26: {  	[smem:$0x3F9B] =	sst s1;
	(tag) =	ssettag s2;
	_ =	strace s9  }
0x27: {  	s1 =	sld [smem:$0x3FAB]  }
0x28: {  	s2 =	sld [smem:$0x3FAC]  }
0x29: {  	s4 =	sld [smem:$0x3FAE]  }
0x2a: {  	p0 =	seq.s32 s5, $0x0;
	s5 =	sld [smem:$0x3FAF]  }
0x2b: {  	s6 =	sld [smem:$0x3FB0]  }
0x2c: {  	s7 =	sld [smem:$0x3FB1]  }
0x2d: {  	s3 =	simm.s32 $0x108;
	s8 =	sld [smem:$0x3FB2]  }
0x2e: {  	s3 =	simm.s32 @!p0 $0x1082;
	s9 =	sld [smem:$0x3FB3]  }
0x2f: {  	lr =	sadd.s32 s0, s3;
	s0 =	sld [smem:$0x3FAA]  }
0x30: {  	s3 =	sld [smem:$0x3FAD]  }
0x31: {  	[smem:$0x3FB6] =	sst s10  }
0x32: {  	s10 =	sld [smem:$0x3FB4];
	_ =	sdelay $0x3  }
0x33: {  	p0 =	seq.s32 s10, $0x1;
	s10 =	sld [smem:$0x3FB6];
	_ =	sdelay $0x3  }
0x34: {  	[smem:$0x3FB6] =	sst s10  }
0x35: {  	s10 =	sld [smem:$0x3FB5];
	_ =	sdelay $0x3  }
0x36: {  	p1 =	seq.s32 s10, $0x1;
	s10 =	sld [smem:$0x3FB6];
	_ =	sdelay $0x3  }
0x37: {  	[smem:$0x3FB6] =	sst s10  }
0x38: {  	s10 =	sld [smem:$0x3FB7]  }
0x39: {  	_ = 	snop;
	(pc) =	sbr.ind lr, $3  }
0x3a: {  	_ = 	snop  }
0x3b: {  	_ = 	snop  }
0x3c: {  	p2 =	seq.s32 s10, $0x1;
	s10 =	sld [smem:$0x3FB6]  }
0x3d: {  	_ =	shalt  }
0x3e: {  	_ =	shalt  }
0x3f: {  	_ =	shalt  }
0x40: {  	_ =	shalt  }
0x41: {  	_ =	shalt  }
0x42: {  	_ =	shalt  }
0x43: {  	_ =	shalt  }
0x44: {  	_ =	shalt  }
0x45: {  	_ =	shalt  }
0x46: {  	_ =	shalt  }
0x47: {  	_ =	shalt  }
0x48: {  	_ =	shalt  }
0x49: {  	_ =	shalt  }
0x4a: {  	_ =	shalt  }
0x4b: {  	_ =	shalt  }
0x4c: {  	_ =	shalt  }
0x4d: {  	_ =	shalt  }
0x4e: {  	_ =	shalt  }
0x4f: {  	_ =	shalt  }
0x50: {  	_ =	shalt  }
0x51: {  	_ =	shalt  }
0x52: {  	_ =	shalt  }
0x53: {  	_ =	shalt  }
0x54: {  	_ =	shalt  }
0x55: {  	_ =	shalt  }
0x56: {  	_ =	shalt  }
0x57: {  	_ =	shalt  }
0x58: {  	_ =	shalt  }
0x59: {  	_ =	shalt  }
0x5a: {  	_ =	shalt  }
0x5b: {  	_ =	shalt  }
0x5c: {  	_ =	shalt  }
0x5d: {  	_ =	shalt  }
0x5e: {  	_ =	shalt  }
0x5f: {  	_ =	shalt  }
0x60: {  	_ =	shalt  }
0x61: {  	_ =	shalt  }
0x62: {  	_ =	shalt  }
0x63: {  	_ =	shalt  }
0x64: {  	_ =	shalt  }
0x65: {  	_ =	shalt  }
0x66: {  	_ =	shalt  }
0x67: {  	_ =	shalt  }
0x68: {  	_ =	shalt  }
0x69: {  	_ =	shalt  }
0x6a: {  	_ =	shalt  }
0x6b: {  	_ =	shalt  }
0x6c: {  	_ =	shalt  }
0x6d: {  	_ =	shalt  }
0x6e: {  	_ =	shalt  }
0x6f: {  	_ =	shalt  }
0x70: {  	_ =	shalt  }
0x71: {  	_ =	shalt  }
0x72: {  	_ =	shalt  }
0x73: {  	_ =	shalt  }
0x74: {  	_ =	shalt  }
0x75: {  	_ =	shalt  }
0x76: {  	_ =	shalt  }
0x77: {  	_ =	shalt  }
0x78: {  	_ =	shalt  }
0x79: {  	_ =	shalt  }
0x7a: {  	_ =	shalt  }
0x7b: {  	_ =	shalt  }
0x7c: {  	_ =	shalt  }
0x7d: {  	_ =	shalt  }
0x7e: {  	_ =	shalt  }
0x7f: {  	_ =	shalt  }
0x80: {  	_ =	shalt  }
0x81: {  	_ =	shalt  }
0x82: {  	_ =	shalt  }
0x83: {  	_ =	shalt  }
0x84: {  	_ =	shalt  }
0x85: {  	_ =	shalt  }
0x86: {  	_ =	shalt  }
0x87: {  	_ =	shalt  }
.Lfunc_end0:
.L_simem_size_0:
called_computation.1_lowered:
.L_overlay_start_0:
0x88: {  	s2 =	sld [smem:$0x3FD9]  }
0x89: {  	s3 =	sld [smem:$0x3FFE];
	_ =	sdelay $0x1  }
0x8a: {  	s1 =	srdreg.scid  }
0x8b: {  	s0 =	sand.u32 $0x1, s1  }
0x8c: {  	s17 =	sshll.u32 s0, $0xA;
	s2 =	sadd.s32 s3, s2  }
0x8d: {  	s2 =	sadd.s32 s2, s17  }
0x8e: {  	[smem:$0x3FC2] =	sst s2  }
0x8f: {  	_ = 	snop  }
0x90: {  	s2 =	sld [smem:$0x3FD0];
	(tm) =	ssettm $0x1  }
0x91: {  	s18 =	sld [smem:$0x3FFB];
	_ =	sdelay $0x3  }
0x92: {  	_ =	strace s18  }
0x93: {  	s3 =	sld [smem:$0x3FFC];
	_ =	sdelay $0x3  }
0x94: {  	_ =	strace s3  }
0x95: {  	s3 =	sld [smem:$0x3FFD];
	_ =	sdelay $0x3  }
0x96: {  	_ =	strace s3  }
0x97: {  	_ =	strace $0x8FFFFFFF  }
0x98: {  	s19 =	sld [smem:$0x3FDB];
	_ =	sdelay $0x1  }
0x99: {  	s4 =	simm.s32 $_scs_section_size  }
0x9a: {  	s5 =	simm.s32 $_size__tile_overlayer_lowered;
	s6 =	simm.s32 $_tile_overlayer_lowered  }
0x9b: {  	s22 =	simm.s32 $0x1BFF;
	s21 =	sshll.u32 s6, $0x1;
	s3 =	sadd.s32 s4, s19  }
0x9c: {  	s7 =	simm.s32 $0x0;
	s20 =	sshll.u32 s5, $0x1;
	s5 =	sadd.s32 s21, s3  }
0x9d: {  	[timem:s7], [sflag:s22] =	dma.local [hbm:s5], s20  }
0x9e: {  	_ =	swait.ge [sflag:s22], s20  }
0x9f: {  	s4 =	ssub.s32 $0x0, s20;
	[sflag:s22] =	ssyncset.done $0x0  }
0xa0: {  	[sflag:s22] =	ssyncadd.s32 s4;
	_ =	sdelay $0x1  }
0xa1: {  	s23 =	simm.s32 $0x1B8B  }
0xa2: {  	_ =	swait.ge [sflag:s23], $0x1  }
0xa3: {  	[sflag:s23] =	ssyncset.done $0x0  }
0xa4: {  	s25 =	simm.s32 $0x1B8E;
	s24 =	sld [smem:$0x3FFE];
	[sflag:s23] =	ssyncadd.s32 $0xFFFFFFFF  }
0xa5: {  	s26 =	simm.s32 $execute0_lowered;
	[smem:$0x3FD2] =	sst s25  }
0xa6: {  	s5 =	sshll.u32 s26, $0x1;
	_ =	strace $0x80000049;
	[dreg:$0x1] =	wrdreg $0xFFFFFFFF  }
0xa7: {  	s28 =	simm.s32 $_size_execute0_lowered;
	s3 =	sadd.s32 s3, s5;
	[dreg:$0x0] =	wrdreg $0x0  }
0xa8: {  	s5 =	sshll.u32 s28, $0x1;
	[dreg:$0x2] =	wrdreg s3  }
0xa9: {  	[dreg:$0x3] =	wrdreg s5  }
0xaa: {  	[dreg:$0x4] =	wrdreg $0xC0  }
0xab: {  	_ =	task [dreg:s7], $0x5FFFF  }
0xac: {  	[dreg:$0x1] =	wrdreg $0xFFFFFFFF  }
0xad: {  	[dreg:$0x0] =	wrdreg $0x60  }
0xae: {  	[dreg:$0x2] =	wrdreg s24  }
0xaf: {  	[dreg:$0x3] =	wrdreg s2  }
0xb0: {  	[dreg:$0x4] =	wrdreg $0xA0000  }
0xb1: {  	[dreg:$0x5] =	wrdreg $0x9  }
0xb2: {  	_ =	task.clear_ibuf [dreg:s7], $0x6FFFF;
	_ =	strace $0x90000049  }
0xb3: {  	s29 =	simm.s32 $0x9;
	_ =	strace $0x8000004B  }
0xb4: {  	_ =	swait.ge [sflag:s29], $0x1  }
0xb5: {  	[sflag:s29] =	ssyncadd.s32 $0xFFFFFFFF  }
0xb6: {  	_ =	strace $0x9000004B  }
0xb7: {  	_ =	sfence  }
0xb8: {  	s30 =	sld [smem:$0x0];
	_ =	sdelay $0x2  }
0xb9: {  	s31 =	sshll.u32 s1, $0xD;
	s1 =	sshrl.u32 s1, $0x2  }
0xba: {  	s3 =	sand.u32 $0x4000, s31;
	s1 =	sadd.s32 s1, s30  }
0xbb: {  	s0 =	sor.u32 s3, s0;
	s1 =	sshll.u32 s1, $0x11  }
0xbc: {  	s0 =	sor.u32 s1, s0  }
0xbd: {  	s0 =	sadd.s32 $0x8F2B, s0  }
0xbe: {  	[sflag:s0] =	ssyncadd.remote.s32 $0x1  }
0xbf: {  	_ =	sfence.sel $0xFFFF  }
0xc0: {  	[dreg:$0x0] =	wrdreg $0xFFFFFFFF;
	(pc) =	sbr.abs _section_cstart, $3  }
0xc1: {  	[dreg:$0x1] =	wrdreg $0xFFFFFFFF  }
0xc2: {  	_ =	task.clear_ibuf [dreg:s7], $0x2FFFF;
	_ =	strace $0x9FFFFFFF  }
0xc3: {  	(tm) =	ssettm $0x7FFFFFFF  }
tec
execute0_lowered:
.L_overlay_start_1:
0x0: {  	(tag) =	ssettag $0x1  }
0x1: {  	s8 =	rddreg [dreg:$0x0]  }
0x2: {  	s1 =	rddreg [dreg:$0x1]  }
0x3: {  	s2 =	rddreg [dreg:$0x2]  }
0x4: {  	s0 =	rddreg [dreg:$0x3]  }
0x5: {  	s4 =	simm.s32 $0x0;
	s3 =	srdreg.scid;
	s17 =	simm.s32 $0x80  }
0x6: {  	s18 =	simm.s32 $0x2000;
	s19 =	simm.s32 $0x1;
	s20 =	simm.s32 $0x6000  }
0x7: {  	s21 =	simm.s32 $0x2;
	[smem:$0x7FF] =	sst s4;
	s9 =	sand.u32 $0x1, s3  }
0x8: {  	s22 =	simm.s32 $0x0;
	s3 =	stileid.u32;
	s10 =	smul.u32 $0x140000, s9  }
0x9: {  	s5 =	sadd.s32 $0xC600, s8;
	s6 =	sadd.s32 $0x2600, s8;
	s11 =	smul.u32 $0x14000, s3  }
0xa: {  	s7 =	sadd.s32 $0x34600, s8;
	_ =	strace $0x8000004A;
	s26 =	smul.u32 $0x50000, s3  }
0xb: {  	s12 =	sshll.u32 s9, $0x4;
	s13 =	ssub.s32 $0x2, s9;
	s15 =	smul.u32 $0x28000, s9  }
0xc: {  	s30 =	sshll.u32 s3, $0x6;
	s31 =	smul.u32 $0x2800, s3;
	s25 =	sor.u32 s3, s12  }
0xd: {  	s28 =	sshrl.u32 s13, $0x1;
	s10 =	sadd.s32 s11, s10;
	s11 =	smul.u32 $0x500, s25  }
0xe: {  	s29 =	sshrl.u32 s26, $0x2;
	s13 =	ssub.s32 s13, s28;
	s15 =	sadd.s32 s31, s15  }
0xf: {  	s10 =	sshrl.u32 s10, $0x3;
	s16 =	sadd.s32 s29, s2;
	s12 =	smax.u32 s13, $0x1  }
0x10: {  	s13 =	sadd.s32 $0x800, s15;
	s15 =	simm.s32 $0x4;
	s14 =	sadd.s32 s10, s8  }
0x11: {  	s8 =	sor.u32 $0x1C04, s30;
	s9 =	sadd.s32 s6, s11;
	s10 =	sadd.s32 s1, s11  }
0x12: {  	s11 =	sadd.s32 $0x36E00, s14;
	s14 =	sshrl.u32 s16, $0x3;
	s16 =	simm.s32 $0x1000  }
.LBB2_1:
0x13: {  	[spmem:s14], [sflag:s8] =	dma.local [hbm:s7], $0x2800  }
0x14: {  	_ =	swait.ge [sflag:s15], $0x2800  }
0x15: {  	[sflag:s15] =	ssyncset.done $0x0  }
0x16: {  	[sflag:s15] =	ssyncadd.s32 $0xFFFFD800  }
0x17: {  	[tilespmem:s4], [sflag:$0x4] =	stream.linear.gather [hbm4b:s9+s4], $0x800, $0x38;
	[tilespmem:$0x1E000] =	vst v63  }
0x18: {  	_ =	swait.ge [sflag:s15], $0x800  }
0x19: {  	[sflag:s15] =	ssyncset.done $0x0  }
0x1a: {  	[sflag:s15] =	ssyncadd.s32 $0xFFFFF800  }
0x1b: {  	[tilespmem:s16], [sflag:$0x4] =	stream.linear.gather [hbm4b:s10+s4], $0x800, $0x38;
	[tilespmem:$0x1E000] =	vst v63  }
0x1c: {  	_ =	swait.ge [sflag:s15], $0x800  }
0x1d: {  	[sflag:s15] =	ssyncset.done $0x0  }
0x1e: {  	[sflag:s15] =	ssyncadd.s32 $0xFFFFF800  }
0x1f: {  	s23 =	simm.s32 $0x0;
	[bflag:$0x0] =	sbarrier.arrive $0xFFFF  }
0x20: {  	[tilespmem:s18], [sflag:$0x1] =	stream.indirect.gather [hbm4b:s5+s17], $0x80, s4, s17, $0xb8;
	[tilespmem:$0x1E000] =	vst v63  }
.LBB2_2:
0x21: {  	p0 =	seq.s32 s23, $0x2000  }
0x22: {  	s25 =	sadd.s32 @!p0 s23, s13  }
0x23: {  	s24 =	sand.u32 @!p0 $0x800, s23;
	s25 =	sshrl.u32 @!p0 s25, $0x3  }
0x24: {  	s29 =	simm.s32 @!p0 $0x0;
	s26 =	sxor.u32 @!p0 $0x800, s24;
	s28 =	sadd.s32 @!p0 s6, s25  }
0x25: {  	[tilespmem:s26], [sflag:$0x3] =	stream.linear.gather @!p0 [hbm4b:s28+s29], $0x800, $0x38;
	[tilespmem:$0x1E000] =	vst v63  }
0x26: {  	s25 =	sadd.s32 @!p0 s1, s25;
	s26 =	sxor.u32 @!p0 $0x1800, s24  }
0x27: {  	[tilespmem:s26], [sflag:$0x3] =	stream.linear.gather @!p0 [hbm4b:s25+s29], $0x800, $0x38;
	[tilespmem:$0x1E000] =	vst v63  }
0x28: {  	_ =	swait.ge [sflag:s19], $0x4000  }
0x29: {  	s24 =	simm.s32 @p0 $0x0;
	[sflag:s19] =	ssyncset.done $0x0  }
0x2a: {  	s31 =	sor.u32 $0x80, s24;
	[sflag:s19] =	ssyncadd.s32 $0xFFFFC000  }
0x2b: {  	[tilespmem:s20], [sflag:$0x2] =	stream.indirect.gather [hbm4b:s5+s17], $0x80, s31, s17, $0xb8;
	[tilespmem:$0x1E000] =	vst v63  }
0x2c: {  	s26 =	sor.u32 $0x1000, s24  }
0x2d: {  	[spmem:s2] =	stream.indirect.scatter.add.f32 [tilespmem:s18], [sflag:$0x4], $0x80, s26, s17, $0xb8;
	[tilespmem:$0x1E000] =	vst v63  }
0x2e: {  	_ =	swait.ge [sflag:s15], $0x4000  }
0x2f: {  	[sflag:s15] =	ssyncset.done $0x0  }
0x30: {  	[sflag:s15] =	ssyncadd.s32 $0xFFFFC000  }
0x31: {  	_ =	swait.ge [sflag:s21], $0x4000  }
0x32: {  	[sflag:s21] =	ssyncset.done $0x0  }
0x33: {  	s28 =	sadd.s32 $0x100, s24;
	[sflag:s21] =	ssyncadd.s32 $0xFFFFC000  }
0x34: {  	[tilespmem:s18], [sflag:$0x1] =	stream.indirect.gather [hbm4b:s5+s17], $0x80, s28, s17, $0xb8;
	[tilespmem:$0x1E000] =	vst v63  }
0x35: {  	s29 =	sor.u32 $0x1080, s24  }
0x36: {  	[spmem:s2] =	stream.indirect.scatter.add.f32 [tilespmem:s20], [sflag:$0x4], $0x80, s29, s17, $0xb8;
	[tilespmem:$0x1E000] =	vst v63  }
0x37: {  	_ =	swait.ge [sflag:s15], $0x4000  }
0x38: {  	[sflag:s15] =	ssyncset.done $0x0  }
0x39: {  	[sflag:s15] =	ssyncadd.s32 $0xFFFFC000  }
0x3a: {  	_ =	swait.ge [sflag:s19], $0x4000  }
0x3b: {  	[sflag:s19] =	ssyncset.done $0x0  }
0x3c: {  	s30 =	sor.u32 $0x180, s24;
	[sflag:s19] =	ssyncadd.s32 $0xFFFFC000  }
0x3d: {  	[tilespmem:s20], [sflag:$0x2] =	stream.indirect.gather [hbm4b:s5+s17], $0x80, s30, s17, $0xb8;
	[tilespmem:$0x1E000] =	vst v63  }
0x3e: {  	s31 =	sadd.s32 $0x1100, s24  }
0x3f: {  	[spmem:s2] =	stream.indirect.scatter.add.f32 [tilespmem:s18], [sflag:$0x4], $0x80, s31, s17, $0xb8;
	[tilespmem:$0x1E000] =	vst v63  }
0x40: {  	_ =	swait.ge [sflag:s15], $0x4000  }
0x41: {  	[sflag:s15] =	ssyncset.done $0x0  }
0x42: {  	[sflag:s15] =	ssyncadd.s32 $0xFFFFC000  }
0x43: {  	_ =	swait.ge [sflag:s21], $0x4000  }
0x44: {  	[sflag:s21] =	ssyncset.done $0x0  }
0x45: {  	s26 =	sadd.s32 $0x200, s24;
	[sflag:s21] =	ssyncadd.s32 $0xFFFFC000  }
0x46: {  	[tilespmem:s18], [sflag:$0x1] =	stream.indirect.gather [hbm4b:s5+s17], $0x80, s26, s17, $0xb8;
	[tilespmem:$0x1E000] =	vst v63  }
0x47: {  	s28 =	sor.u32 $0x1180, s24  }
0x48: {  	[spmem:s2] =	stream.indirect.scatter.add.f32 [tilespmem:s20], [sflag:$0x4], $0x80, s28, s17, $0xb8;
	[tilespmem:$0x1E000] =	vst v63  }
0x49: {  	_ =	swait.ge [sflag:s15], $0x4000  }
0x4a: {  	[sflag:s15] =	ssyncset.done $0x0  }
0x4b: {  	[sflag:s15] =	ssyncadd.s32 $0xFFFFC000  }
0x4c: {  	_ =	swait.ge [sflag:s19], $0x4000  }
0x4d: {  	[sflag:s19] =	ssyncset.done $0x0  }
0x4e: {  	s29 =	sor.u32 $0x280, s24;
	[sflag:s19] =	ssyncadd.s32 $0xFFFFC000  }
0x4f: {  	[tilespmem:s20], [sflag:$0x2] =	stream.indirect.gather [hbm4b:s5+s17], $0x80, s29, s17, $0xb8;
	[tilespmem:$0x1E000] =	vst v63  }
0x50: {  	s30 =	sadd.s32 $0x1200, s24  }
0x51: {  	[spmem:s2] =	stream.indirect.scatter.add.f32 [tilespmem:s18], [sflag:$0x4], $0x80, s30, s17, $0xb8;
	[tilespmem:$0x1E000] =	vst v63  }
0x52: {  	_ =	swait.ge [sflag:s15], $0x4000  }
0x53: {  	[sflag:s15] =	ssyncset.done $0x0  }
0x54: {  	[sflag:s15] =	ssyncadd.s32 $0xFFFFC000  }
0x55: {  	_ =	swait.ge [sflag:s21], $0x4000  }
0x56: {  	[sflag:s21] =	ssyncset.done $0x0  }
0x57: {  	s31 =	sadd.s32 $0x300, s24;
	[sflag:s21] =	ssyncadd.s32 $0xFFFFC000  }
0x58: {  	[tilespmem:s18], [sflag:$0x1] =	stream.indirect.gather [hbm4b:s5+s17], $0x80, s31, s17, $0xb8;
	[tilespmem:$0x1E000] =	vst v63  }
0x59: {  	s26 =	sor.u32 $0x1280, s24  }
0x5a: {  	[spmem:s2] =	stream.indirect.scatter.add.f32 [tilespmem:s20], [sflag:$0x4], $0x80, s26, s17, $0xb8;
	[tilespmem:$0x1E000] =	vst v63  }
0x5b: {  	_ =	swait.ge [sflag:s15], $0x4000  }
0x5c: {  	[sflag:s15] =	ssyncset.done $0x0  }
0x5d: {  	[sflag:s15] =	ssyncadd.s32 $0xFFFFC000  }
0x5e: {  	_ =	swait.ge [sflag:s19], $0x4000  }
0x5f: {  	[sflag:s19] =	ssyncset.done $0x0  }
0x60: {  	s28 =	sor.u32 $0x380, s24;
	[sflag:s19] =	ssyncadd.s32 $0xFFFFC000  }
0x61: {  	[tilespmem:s20], [sflag:$0x2] =	stream.indirect.gather [hbm4b:s5+s17], $0x80, s28, s17, $0xb8;
	[tilespmem:$0x1E000] =	vst v63  }
0x62: {  	s29 =	sadd.s32 $0x1300, s24  }
0x63: {  	[spmem:s2] =	stream.indirect.scatter.add.f32 [tilespmem:s18], [sflag:$0x4], $0x80, s29, s17, $0xb8;
	[tilespmem:$0x1E000] =	vst v63  }
0x64: {  	_ =	swait.ge [sflag:s15], $0x4000  }
0x65: {  	[sflag:s15] =	ssyncset.done $0x0  }
0x66: {  	[sflag:s15] =	ssyncadd.s32 $0xFFFFC000  }
0x67: {  	_ =	swait.ge [sflag:s21], $0x4000  }
0x68: {  	[sflag:s21] =	ssyncset.done $0x0  }
0x69: {  	s30 =	sadd.s32 $0x400, s24;
	[sflag:s21] =	ssyncadd.s32 $0xFFFFC000  }
0x6a: {  	[tilespmem:s18], [sflag:$0x1] =	stream.indirect.gather [hbm4b:s5+s17], $0x80, s30, s17, $0xb8;
	[tilespmem:$0x1E000] =	vst v63  }
0x6b: {  	s31 =	sor.u32 $0x1380, s24  }
0x6c: {  	[spmem:s2] =	stream.indirect.scatter.add.f32 [tilespmem:s20], [sflag:$0x4], $0x80, s31, s17, $0xb8;
	[tilespmem:$0x1E000] =	vst v63  }
0x6d: {  	_ =	swait.ge [sflag:s15], $0x4000  }
0x6e: {  	[sflag:s15] =	ssyncset.done $0x0  }
0x6f: {  	[sflag:s15] =	ssyncadd.s32 $0xFFFFC000  }
0x70: {  	_ =	swait.ge [sflag:s19], $0x4000  }
0x71: {  	[sflag:s19] =	ssyncset.done $0x0  }
0x72: {  	s26 =	sor.u32 $0x480, s24;
	[sflag:s19] =	ssyncadd.s32 $0xFFFFC000  }
0x73: {  	[tilespmem:s20], [sflag:$0x2] =	stream.indirect.gather [hbm4b:s5+s17], $0x80, s26, s17, $0xb8;
	[tilespmem:$0x1E000] =	vst v63  }
0x74: {  	s28 =	sadd.s32 $0x1400, s24  }
0x75: {  	[spmem:s2] =	stream.indirect.scatter.add.f32 [tilespmem:s18], [sflag:$0x4], $0x80, s28, s17, $0xb8;
	[tilespmem:$0x1E000] =	vst v63  }
0x76: {  	_ =	swait.ge [sflag:s15], $0x4000  }
0x77: {  	[sflag:s15] =	ssyncset.done $0x0  }
0x78: {  	[sflag:s15] =	ssyncadd.s32 $0xFFFFC000  }
0x79: {  	_ =	swait.ge [sflag:s21], $0x4000  }
0x7a: {  	[sflag:s21] =	ssyncset.done $0x0  }
0x7b: {  	s29 =	sadd.s32 $0x500, s24;
	[sflag:s21] =	ssyncadd.s32 $0xFFFFC000  }
0x7c: {  	[tilespmem:s18], [sflag:$0x1] =	stream.indirect.gather [hbm4b:s5+s17], $0x80, s29, s17, $0xb8;
	[tilespmem:$0x1E000] =	vst v63  }
0x7d: {  	s30 =	sor.u32 $0x1480, s24  }
0x7e: {  	[spmem:s2] =	stream.indirect.scatter.add.f32 [tilespmem:s20], [sflag:$0x4], $0x80, s30, s17, $0xb8;
	[tilespmem:$0x1E000] =	vst v63  }
0x7f: {  	_ =	swait.ge [sflag:s15], $0x4000  }
0x80: {  	[sflag:s15] =	ssyncset.done $0x0  }
0x81: {  	[sflag:s15] =	ssyncadd.s32 $0xFFFFC000  }
0x82: {  	_ =	swait.ge [sflag:s19], $0x4000  }
0x83: {  	[sflag:s19] =	ssyncset.done $0x0  }
0x84: {  	s31 =	sor.u32 $0x580, s24;
	[sflag:s19] =	ssyncadd.s32 $0xFFFFC000  }
0x85: {  	[tilespmem:s20], [sflag:$0x2] =	stream.indirect.gather [hbm4b:s5+s17], $0x80, s31, s17, $0xb8;
	[tilespmem:$0x1E000] =	vst v63  }
0x86: {  	s26 =	sadd.s32 $0x1500, s24  }
0x87: {  	[spmem:s2] =	stream.indirect.scatter.add.f32 [tilespmem:s18], [sflag:$0x4], $0x80, s26, s17, $0xb8;
	[tilespmem:$0x1E000] =	vst v63  }
0x88: {  	_ =	swait.ge [sflag:s15], $0x4000  }
0x89: {  	[sflag:s15] =	ssyncset.done $0x0  }
0x8a: {  	[sflag:s15] =	ssyncadd.s32 $0xFFFFC000  }
0x8b: {  	_ =	swait.ge [sflag:s21], $0x4000  }
0x8c: {  	[sflag:s21] =	ssyncset.done $0x0  }
0x8d: {  	s28 =	sadd.s32 $0x600, s24;
	[sflag:s21] =	ssyncadd.s32 $0xFFFFC000  }
0x8e: {  	[tilespmem:s18], [sflag:$0x1] =	stream.indirect.gather [hbm4b:s5+s17], $0x80, s28, s17, $0xb8;
	[tilespmem:$0x1E000] =	vst v63  }
0x8f: {  	s29 =	sor.u32 $0x1580, s24  }
0x90: {  	[spmem:s2] =	stream.indirect.scatter.add.f32 [tilespmem:s20], [sflag:$0x4], $0x80, s29, s17, $0xb8;
	[tilespmem:$0x1E000] =	vst v63  }
0x91: {  	_ =	swait.ge [sflag:s15], $0x4000  }
0x92: {  	[sflag:s15] =	ssyncset.done $0x0  }
0x93: {  	[sflag:s15] =	ssyncadd.s32 $0xFFFFC000  }
0x94: {  	_ =	swait.ge [sflag:s19], $0x4000  }
0x95: {  	[sflag:s19] =	ssyncset.done $0x0  }
0x96: {  	s30 =	sor.u32 $0x680, s24;
	[sflag:s19] =	ssyncadd.s32 $0xFFFFC000  }
0x97: {  	[tilespmem:s20], [sflag:$0x2] =	stream.indirect.gather [hbm4b:s5+s17], $0x80, s30, s17, $0xb8;
	[tilespmem:$0x1E000] =	vst v63  }
0x98: {  	s31 =	sadd.s32 $0x1600, s24  }
0x99: {  	[spmem:s2] =	stream.indirect.scatter.add.f32 [tilespmem:s18], [sflag:$0x4], $0x80, s31, s17, $0xb8;
	[tilespmem:$0x1E000] =	vst v63  }
0x9a: {  	_ =	swait.ge [sflag:s15], $0x4000  }
0x9b: {  	[sflag:s15] =	ssyncset.done $0x0  }
0x9c: {  	[sflag:s15] =	ssyncadd.s32 $0xFFFFC000  }
0x9d: {  	_ =	swait.ge [sflag:s21], $0x4000  }
0x9e: {  	[sflag:s21] =	ssyncset.done $0x0  }
0x9f: {  	s26 =	sadd.s32 $0x700, s24;
	[sflag:s21] =	ssyncadd.s32 $0xFFFFC000  }
0xa0: {  	[tilespmem:s18], [sflag:$0x1] =	stream.indirect.gather [hbm4b:s5+s17], $0x80, s26, s17, $0xb8;
	[tilespmem:$0x1E000] =	vst v63  }
0xa1: {  	s28 =	sor.u32 $0x1680, s24  }
0xa2: {  	[spmem:s2] =	stream.indirect.scatter.add.f32 [tilespmem:s20], [sflag:$0x4], $0x80, s28, s17, $0xb8;
	[tilespmem:$0x1E000] =	vst v63  }
0xa3: {  	_ =	swait.ge [sflag:s15], $0x4000  }
0xa4: {  	[sflag:s15] =	ssyncset.done $0x0  }
0xa5: {  	[sflag:s15] =	ssyncadd.s32 $0xFFFFC000  }
0xa6: {  	_ =	swait.ge [sflag:s19], $0x4000  }
0xa7: {  	[sflag:s19] =	ssyncset.done $0x0  }
0xa8: {  	s29 =	sor.u32 $0x780, s24;
	[sflag:s19] =	ssyncadd.s32 $0xFFFFC000  }
0xa9: {  	[tilespmem:s20], [sflag:$0x2] =	stream.indirect.gather [hbm4b:s5+s17], $0x80, s29, s17, $0xb8;
	[tilespmem:$0x1E000] =	vst v63  }
0xaa: {  	s30 =	sadd.s32 $0x1700, s24  }
0xab: {  	[spmem:s2] =	stream.indirect.scatter.add.f32 [tilespmem:s18], [sflag:$0x4], $0x80, s30, s17, $0xb8;
	[tilespmem:$0x1E000] =	vst v63  }
0xac: {  	_ =	swait.ge [sflag:s15], $0x4000  }
0xad: {  	[sflag:s15] =	ssyncset.done $0x0  }
0xae: {  	[sflag:s15] =	ssyncadd.s32 $0xFFFFC000  }
0xaf: {  	_ =	swait.ge [sflag:s21], $0x4000  }
0xb0: {  	[sflag:s21] =	ssyncset.done $0x0  }
0xb1: {  	s31 =	sor.u32 $0x1780, s24;
	[sflag:s21] =	ssyncadd.s32 $0xFFFFC000  }
0xb2: {  	[spmem:s2] =	stream.indirect.scatter.add.f32 [tilespmem:s20], [sflag:$0x4], $0x80, s31, s17, $0xb8;
	[tilespmem:$0x1E000] =	vst v63  }
0xb3: {  	_ =	swait.ge [sflag:s15], $0x4000  }
0xb4: {  	[sflag:s15] =	ssyncset.done $0x0  }
0xb5: {  	s25 =	simm.s32 @!p0 $0x3;
	[sflag:s15] =	ssyncadd.s32 $0xFFFFC000  }
0xb6: {  	_ =	swait.ge @!p0 [sflag:s25], $0x800  }
0xb7: {  	[sflag:s25] =	ssyncset.done @!p0 $0x0  }
0xb8: {  	[sflag:s25] =	ssyncadd.s32 @!p0 $0xFFFFF800  }
0xb9: {  	s23 =	sadd.s32 @!p0 $0x800, s23;
	_ =	swait.ge @!p0 [sflag:s25], $0x800  }
0xba: {  	p1 =	sne.s32 @!p0 s23, $0x2800;
	s24 =	ssub.s32 @!p0 $0x800, s24;
	[sflag:s25] =	ssyncset.done @!p0 $0x0  }
0xbb: {  	s26 =	simm.s32 @!p0 $0x2000;
	[sflag:s25] =	ssyncadd.s32 @!p0 $0xFFFFF800;
	s25 =	simm.s32 @!p0 $0x80  }
0xbc: {  	[tilespmem:s26], [sflag:$0x1] =	stream.indirect.gather @!p0 [hbm4b:s5+s25], $0x80, s24, s25, $0xb8;
	[tilespmem:$0x1E000] =	vst v63  }
0xbd: {  	p0 =	por p0, !p1  }
.Ltmp0:
0xbe: {  	_ = 	snop;
	(pc) =	sbr.rel @!p0 .LBB2_2-.Ltmp0, $1  }
0xbf: {  	_ =	sdelay $0x3  }
0xc0: {  	s22 =	sadd.s32 $0x1, s22  }
0xc1: {  	p0 =	sne.s32 s22, s12  }
.Ltmp1:
0xc2: {  	[bflag:$0x0] =	sbarrier.arrive $0xFFFF;
	(pc) =	sbr.rel @p0 .LBB2_1-.Ltmp1, $4  }
0xc3: {  	[hbm:s11], [sflag:s8] =	dma.local [spmem:s14], $0x2800  }
0xc4: {  	_ =	swait.ge [sflag:s15], $0x2800  }
0xc5: {  	[sflag:s15] =	ssyncset.done $0x0  }
0xc6: {  	[sflag:s15] =	ssyncadd.s32 $0xFFFFD800  }
0xc7: {  	_ =	sfence.sel $0x180000  }
0xc8: {  	[bflag:$0x0] =	sbarrier.arrive $0xFFFF  }
0xc9: {  	p0 =	sne.s32 s3, $0x0;
	_ =	strace $0x9000004A  }
0xca: {  	s0 =	sadd.s32 @!p0 $0x100000, s0;
	[bflag:$0x2] =	sbarrier.arrive $0xFFFF  }
0xcb: {  	[sflag:s0] =	ssyncadd.tile.s32 @!p0 $0x1;
	_ =	shalt  }
.Lfunc_end2:
_tile_overlayer_lowered:
.L_overlay_start_2:
0xcc: {  	(tag) =	ssettag $0x2  }
0xcd: {  	s0 =	rddreg [dreg:$0x0];
	s2 =	stileid.u32  }
0xce: {  	s1 =	rddreg [dreg:$0x1];
	p0 =	sne.s32 s2, $0x0  }
0xcf: {  	s3 =	rddreg [dreg:$0x2];
	[bflag:$0x3] =	sbarrier.arrive $0xFFFF;
	s2 =	simm.s32 @!p0 $0x1C04  }
0xd0: {  	[timem:s3], [sflag:s2] =	dma.local @!p0 [hbm:s0], s1  }
0xd1: {  	s0 =	simm.s32 @!p0 $0x4  }
0xd2: {  	_ =	swait.ge @!p0 [sflag:s0], s1  }
0xd3: {  	s1 =	ssub.s32 @!p0 $0x0, s1;
	[sflag:s0] =	ssyncset.done @!p0 $0x0  }
0xd4: {  	[sflag:s0] =	ssyncadd.s32 @!p0 s1  }
0xd5: {  	[bflag:$0x3] =	sbarrier.arrive $0xFFFF  }
0xd6: {  	_ =	shalt  }

// kernel: kernel.14.cloned.1.call-start
scs
__scs_entry_jumppad:
0x0: {  	(pc) =	sbr.rel $0x88, $3  }
0x1: {  	(tag) =	ssettag $0x0;
	lr =	simm.s32 $0x1  }
0x2: {  	[smem:$0x3F9B] =	sst lr;
	_ =	strace $0xD0000000  }
0x3: {  	_ = 	snop  }
0x4: {  	_ = 	snop  }
0x5: {  	_ = 	snop  }
0x6: {  	_ = 	snop  }
0x7: {  	_ = 	snop  }
__scs_overlays_trampoline_lowered:
0x8: {  	[smem:$0x3FAA] =	sst s0  }
0x9: {  	[smem:$0x3FAB] =	sst s1  }
0xa: {  	[smem:$0x3FAC] =	sst s2  }
0xb: {  	[smem:$0x3FAD] =	sst s3  }
0xc: {  	[smem:$0x3FAE] =	sst s4  }
0xd: {  	[smem:$0x3FAF] =	sst s5  }
0xe: {  	[smem:$0x3FB0] =	sst s6  }
0xf: {  	[smem:$0x3FB1] =	sst s7  }
0x10: {  	[smem:$0x3FB2] =	sst s8  }
0x11: {  	[smem:$0x3FB3] =	sst s9;
	s0 =	simm.s32 @!p0 $0x0  }
0x12: {  	s1 =	sld [smem:$0x3F99];
	s0 =	simm.s32 @p0 $0x1  }
0x13: {  	[smem:$0x3FB4] =	sst s0;
	s0 =	simm.s32 @!p1 $0x0  }
0x14: {  	s2 =	sld [smem:$0x3F98];
	s0 =	simm.s32 @p1 $0x1  }
0x15: {  	[smem:$0x3FB5] =	sst s0;
	s0 =	simm.s32 @!p2 $0x0  }
0x16: {  	s3 =	sld [smem:$0x3FDB];
	s0 =	simm.s32 @p2 $0x1  }
0x17: {  	s4 =	simm.s32 $0x1BF5;
	[smem:$0x3FB7] =	sst s0  }
0x18: {  	s0 =	sld [smem:$0x3F9A];
	_ =	swait.ge [sflag:s4], $0x0  }
0x19: {  	s7 =	sld [smem:$0x3F9B]  }
0x1a: {  	s8 =	sadd.s32 $0xFFFFE003, lr  }
0x1b: {  	s9 =	sadd.s32 $0xFFFFFEF7, lr;
	s5 =	simm.s32 $0xFFFFFFFF;
	p2 =	slt.u32 s8, $0xFFFFF086  }
0x1c: {  	p1 =	slt.u32 s9, $0xF7A;
	s5 =	simm.s32 @!p2 $0x0  }
0x1d: {  	s5 =	simm.s32 @p1 $0x1;
	p0 =	seq.s32 s7, s2  }
0x1e: {  	s7 =	smul.u32 @!p0 $0xF7A, s2;
	p2 =	seq.s32 @!p0 s5, $0x0  }
0x1f: {  	s9 =	smul.u32 $0xF7A, s1;
	s8 =	simm.s32 @!p0 $0x1BF5;
	p2 =	por !p2, p0  }
0x20: {  	[sflag:s8] =	ssyncset.s32 @!p0 $0xFFFFF086;
	s6 =	sadd.s32 @!p0 s3, s7;
	s7 =	simm.s32 @!p0 $0x108  }
0x21: {  	s3 =	sadd.s32 s3, s9;
	s6 =	sadd.s32 @!p0 $0x88, s6;
	s7 =	simm.s32 @p2 $0x1082  }
0x22: {  	[simem:s7], [sflag:s8] =	dma.local @!p0 [hbm:s6], $0xF7A  }
0x23: {  	s9 =	sor.u32 $0xD0000000, s2;
	s6 =	simm.s32 $0x108;
	_ =	swait.ge @!p0 [sflag:s8], $0x0  }
0x24: {  	s3 =	sadd.s32 $0x88, s3;
	s6 =	simm.s32 @!p1 $0x1082;
	[sflag:s4] =	ssyncset.s32 $0xFFFFF086  }
0x25: {  	[simem:s6], [sflag:s4] =	dma.local [hbm:s3], $0xF7A  }
0x26: {  	[smem:$0x3F9B] =	sst s1;
	(tag) =	ssettag s2;
	_ =	strace s9  }
0x27: {  	s1 =	sld [smem:$0x3FAB]  }
0x28: {  	s2 =	sld [smem:$0x3FAC]  }
0x29: {  	s4 =	sld [smem:$0x3FAE]  }
0x2a: {  	p0 =	seq.s32 s5, $0x0;
	s5 =	sld [smem:$0x3FAF]  }
0x2b: {  	s6 =	sld [smem:$0x3FB0]  }
0x2c: {  	s7 =	sld [smem:$0x3FB1]  }
0x2d: {  	s3 =	simm.s32 $0x108;
	s8 =	sld [smem:$0x3FB2]  }
0x2e: {  	s3 =	simm.s32 @!p0 $0x1082;
	s9 =	sld [smem:$0x3FB3]  }
0x2f: {  	lr =	sadd.s32 s0, s3;
	s0 =	sld [smem:$0x3FAA]  }
0x30: {  	s3 =	sld [smem:$0x3FAD]  }
0x31: {  	[smem:$0x3FB6] =	sst s10  }
0x32: {  	s10 =	sld [smem:$0x3FB4];
	_ =	sdelay $0x3  }
0x33: {  	p0 =	seq.s32 s10, $0x1;
	s10 =	sld [smem:$0x3FB6];
	_ =	sdelay $0x3  }
0x34: {  	[smem:$0x3FB6] =	sst s10  }
0x35: {  	s10 =	sld [smem:$0x3FB5];
	_ =	sdelay $0x3  }
0x36: {  	p1 =	seq.s32 s10, $0x1;
	s10 =	sld [smem:$0x3FB6];
	_ =	sdelay $0x3  }
0x37: {  	[smem:$0x3FB6] =	sst s10  }
0x38: {  	s10 =	sld [smem:$0x3FB7]  }
0x39: {  	_ = 	snop;
	(pc) =	sbr.ind lr, $3  }
0x3a: {  	_ = 	snop  }
0x3b: {  	_ = 	snop  }
0x3c: {  	p2 =	seq.s32 s10, $0x1;
	s10 =	sld [smem:$0x3FB6]  }
0x3d: {  	_ =	shalt  }
0x3e: {  	_ =	shalt  }
0x3f: {  	_ =	shalt  }
0x40: {  	_ =	shalt  }
0x41: {  	_ =	shalt  }
0x42: {  	_ =	shalt  }
0x43: {  	_ =	shalt  }
0x44: {  	_ =	shalt  }
0x45: {  	_ =	shalt  }
0x46: {  	_ =	shalt  }
0x47: {  	_ =	shalt  }
0x48: {  	_ =	shalt  }
0x49: {  	_ =	shalt  }
0x4a: {  	_ =	shalt  }
0x4b: {  	_ =	shalt  }
0x4c: {  	_ =	shalt  }
0x4d: {  	_ =	shalt  }
0x4e: {  	_ =	shalt  }
0x4f: {  	_ =	shalt  }
0x50: {  	_ =	shalt  }
0x51: {  	_ =	shalt  }
0x52: {  	_ =	shalt  }
0x53: {  	_ =	shalt  }
0x54: {  	_ =	shalt  }
0x55: {  	_ =	shalt  }
0x56: {  	_ =	shalt  }
0x57: {  	_ =	shalt  }
0x58: {  	_ =	shalt  }
0x59: {  	_ =	shalt  }
0x5a: {  	_ =	shalt  }
0x5b: {  	_ =	shalt  }
0x5c: {  	_ =	shalt  }
0x5d: {  	_ =	shalt  }
0x5e: {  	_ =	shalt  }
0x5f: {  	_ =	shalt  }
0x60: {  	_ =	shalt  }
0x61: {  	_ =	shalt  }
0x62: {  	_ =	shalt  }
0x63: {  	_ =	shalt  }
0x64: {  	_ =	shalt  }
0x65: {  	_ =	shalt  }
0x66: {  	_ =	shalt  }
0x67: {  	_ =	shalt  }
0x68: {  	_ =	shalt  }
0x69: {  	_ =	shalt  }
0x6a: {  	_ =	shalt  }
0x6b: {  	_ =	shalt  }
0x6c: {  	_ =	shalt  }
0x6d: {  	_ =	shalt  }
0x6e: {  	_ =	shalt  }
0x6f: {  	_ =	shalt  }
0x70: {  	_ =	shalt  }
0x71: {  	_ =	shalt  }
0x72: {  	_ =	shalt  }
0x73: {  	_ =	shalt  }
0x74: {  	_ =	shalt  }
0x75: {  	_ =	shalt  }
0x76: {  	_ =	shalt  }
0x77: {  	_ =	shalt  }
0x78: {  	_ =	shalt  }
0x79: {  	_ =	shalt  }
0x7a: {  	_ =	shalt  }
0x7b: {  	_ =	shalt  }
0x7c: {  	_ =	shalt  }
0x7d: {  	_ =	shalt  }
0x7e: {  	_ =	shalt  }
0x7f: {  	_ =	shalt  }
0x80: {  	_ =	shalt  }
0x81: {  	_ =	shalt  }
0x82: {  	_ =	shalt  }
0x83: {  	_ =	shalt  }
0x84: {  	_ =	shalt  }
0x85: {  	_ =	shalt  }
0x86: {  	_ =	shalt  }
0x87: {  	_ =	shalt  }
.Lfunc_end0:
.L_simem_size_0:
called_computation.2_lowered:
.L_overlay_start_0:
0x88: {  	s2 =	sld [smem:$0x3FD9]  }
0x89: {  	s3 =	sld [smem:$0x3FFE];
	_ =	sdelay $0x1  }
0x8a: {  	s1 =	srdreg.scid  }
0x8b: {  	s0 =	sand.u32 $0x1, s1  }
0x8c: {  	s17 =	sshll.u32 s0, $0xA;
	s2 =	sadd.s32 s3, s2  }
0x8d: {  	s2 =	sadd.s32 s2, s17  }
0x8e: {  	[smem:$0x3FC2] =	sst s2  }
0x8f: {  	_ = 	snop  }
0x90: {  	s2 =	sld [smem:$0x3FD0];
	(tm) =	ssettm $0x1  }
0x91: {  	s18 =	sld [smem:$0x3FFB];
	_ =	sdelay $0x3  }
0x92: {  	_ =	strace s18  }
0x93: {  	s3 =	sld [smem:$0x3FFC];
	_ =	sdelay $0x3  }
0x94: {  	_ =	strace s3  }
0x95: {  	s3 =	sld [smem:$0x3FFD];
	_ =	sdelay $0x3  }
0x96: {  	_ =	strace s3  }
0x97: {  	_ =	strace $0x8FFFFFFF  }
0x98: {  	s19 =	sld [smem:$0x3FDB];
	_ =	sdelay $0x1  }
0x99: {  	s4 =	simm.s32 $_scs_section_size  }
0x9a: {  	s5 =	simm.s32 $_size__tile_overlayer_lowered;
	s6 =	simm.s32 $_tile_overlayer_lowered  }
0x9b: {  	s22 =	simm.s32 $0x1BFF;
	s21 =	sshll.u32 s6, $0x1;
	s3 =	sadd.s32 s4, s19  }
0x9c: {  	s7 =	simm.s32 $0x0;
	s20 =	sshll.u32 s5, $0x1;
	s5 =	sadd.s32 s21, s3  }
0x9d: {  	[timem:s7], [sflag:s22] =	dma.local [hbm:s5], s20  }
0x9e: {  	_ =	swait.ge [sflag:s22], s20  }
0x9f: {  	s4 =	ssub.s32 $0x0, s20;
	[sflag:s22] =	ssyncset.done $0x0  }
0xa0: {  	[sflag:s22] =	ssyncadd.s32 s4;
	_ =	sdelay $0x1  }
0xa1: {  	s23 =	simm.s32 $0x1B8B  }
0xa2: {  	_ =	swait.ge [sflag:s23], $0x1  }
0xa3: {  	[sflag:s23] =	ssyncset.done $0x0  }
0xa4: {  	s25 =	simm.s32 $0x1B8E;
	s24 =	sld [smem:$0x3FFE];
	[sflag:s23] =	ssyncadd.s32 $0xFFFFFFFF  }
0xa5: {  	s26 =	simm.s32 $execute0_lowered;
	[smem:$0x3FD2] =	sst s25  }
0xa6: {  	s5 =	sshll.u32 s26, $0x1;
	_ =	strace $0x8000004C;
	[dreg:$0x1] =	wrdreg $0xFFFFFFFF  }
0xa7: {  	s28 =	simm.s32 $_size_execute0_lowered;
	s3 =	sadd.s32 s3, s5;
	[dreg:$0x0] =	wrdreg $0x0  }
0xa8: {  	s5 =	sshll.u32 s28, $0x1;
	[dreg:$0x2] =	wrdreg s3  }
0xa9: {  	[dreg:$0x3] =	wrdreg s5  }
0xaa: {  	[dreg:$0x4] =	wrdreg $0xC0  }
0xab: {  	_ =	task [dreg:s7], $0x5FFFF  }
0xac: {  	[dreg:$0x1] =	wrdreg $0xFFFFFFFF  }
0xad: {  	[dreg:$0x0] =	wrdreg $0x60  }
0xae: {  	[dreg:$0x2] =	wrdreg s24  }
0xaf: {  	[dreg:$0x3] =	wrdreg s2  }
0xb0: {  	[dreg:$0x4] =	wrdreg $0xA0000  }
0xb1: {  	[dreg:$0x5] =	wrdreg $0x9  }
0xb2: {  	_ =	task.clear_ibuf [dreg:s7], $0x6FFFF;
	_ =	strace $0x9000004C  }
0xb3: {  	s29 =	simm.s32 $0x9;
	_ =	strace $0x8000004E  }
0xb4: {  	_ =	swait.ge [sflag:s29], $0x1  }
0xb5: {  	[sflag:s29] =	ssyncadd.s32 $0xFFFFFFFF  }
0xb6: {  	_ =	strace $0x9000004E  }
0xb7: {  	_ =	sfence  }
0xb8: {  	s30 =	sld [smem:$0x0];
	_ =	sdelay $0x2  }
0xb9: {  	s31 =	sshll.u32 s1, $0xD;
	s1 =	sshrl.u32 s1, $0x2  }
0xba: {  	s3 =	sand.u32 $0x4000, s31;
	s1 =	sadd.s32 s1, s30  }
0xbb: {  	s0 =	sor.u32 s3, s0;
	s1 =	sshll.u32 s1, $0x11  }
0xbc: {  	s0 =	sor.u32 s1, s0  }
0xbd: {  	s0 =	sadd.s32 $0x8F2B, s0  }
0xbe: {  	[sflag:s0] =	ssyncadd.remote.s32 $0x1  }
0xbf: {  	_ =	sfence.sel $0xFFFF  }
0xc0: {  	[dreg:$0x0] =	wrdreg $0xFFFFFFFF;
	(pc) =	sbr.abs _section_cstart, $3  }
0xc1: {  	[dreg:$0x1] =	wrdreg $0xFFFFFFFF  }
0xc2: {  	_ =	task.clear_ibuf [dreg:s7], $0x2FFFF;
	_ =	strace $0x9FFFFFFF  }
0xc3: {  	(tm) =	ssettm $0x7FFFFFFF  }
tec
execute0_lowered:
.L_overlay_start_1:
0x0: {  	(tag) =	ssettag $0x1  }
0x1: {  	s8 =	rddreg [dreg:$0x0]  }
0x2: {  	s1 =	rddreg [dreg:$0x1]  }
0x3: {  	s2 =	rddreg [dreg:$0x2]  }
0x4: {  	s0 =	rddreg [dreg:$0x3]  }
0x5: {  	s4 =	simm.s32 $0x0;
	s3 =	srdreg.scid;
	s17 =	simm.s32 $0x80  }
0x6: {  	s18 =	simm.s32 $0x2000;
	s19 =	simm.s32 $0x1;
	s20 =	simm.s32 $0x6000  }
0x7: {  	s21 =	simm.s32 $0x2;
	[smem:$0x7FF] =	sst s4;
	s9 =	sand.u32 $0x1, s3  }
0x8: {  	s22 =	simm.s32 $0x0;
	s3 =	stileid.u32;
	s10 =	smul.u32 $0x140000, s9  }
0x9: {  	s5 =	sadd.s32 $0xC600, s8;
	s6 =	sadd.s32 $0x2600, s8;
	s11 =	smul.u32 $0x14000, s3  }
0xa: {  	s7 =	sadd.s32 $0x34600, s8;
	_ =	strace $0x8000004D;
	s26 =	smul.u32 $0x50000, s3  }
0xb: {  	s12 =	sshll.u32 s9, $0x4;
	s13 =	ssub.s32 $0x2, s9;
	s15 =	smul.u32 $0x28000, s9  }
0xc: {  	s30 =	sshll.u32 s3, $0x6;
	s31 =	smul.u32 $0x2800, s3;
	s25 =	sor.u32 s3, s12  }
0xd: {  	s28 =	sshrl.u32 s13, $0x1;
	s10 =	sadd.s32 s11, s10;
	s11 =	smul.u32 $0x500, s25  }
0xe: {  	s29 =	sshrl.u32 s26, $0x2;
	s13 =	ssub.s32 s13, s28;
	s15 =	sadd.s32 s31, s15  }
0xf: {  	s10 =	sshrl.u32 s10, $0x3;
	s16 =	sadd.s32 s29, s2;
	s12 =	smax.u32 s13, $0x1  }
0x10: {  	s13 =	sadd.s32 $0x800, s15;
	s15 =	simm.s32 $0x4;
	s14 =	sadd.s32 s10, s8  }
0x11: {  	s8 =	sor.u32 $0x1C04, s30;
	s9 =	sadd.s32 s6, s11;
	s10 =	sadd.s32 s1, s11  }
0x12: {  	s11 =	sadd.s32 $0x36E00, s14;
	s14 =	sshrl.u32 s16, $0x3;
	s16 =	simm.s32 $0x1000  }
.LBB2_1:
0x13: {  	[spmem:s14], [sflag:s8] =	dma.local [hbm:s7], $0x2800  }
0x14: {  	_ =	swait.ge [sflag:s15], $0x2800  }
0x15: {  	[sflag:s15] =	ssyncset.done $0x0  }
0x16: {  	[sflag:s15] =	ssyncadd.s32 $0xFFFFD800  }
0x17: {  	[tilespmem:s4], [sflag:$0x4] =	stream.linear.gather [hbm4b:s9+s4], $0x800, $0x38;
	[tilespmem:$0x1E000] =	vst v63  }
0x18: {  	_ =	swait.ge [sflag:s15], $0x800  }
0x19: {  	[sflag:s15] =	ssyncset.done $0x0  }
0x1a: {  	[sflag:s15] =	ssyncadd.s32 $0xFFFFF800  }
0x1b: {  	[tilespmem:s16], [sflag:$0x4] =	stream.linear.gather [hbm4b:s10+s4], $0x800, $0x38;
	[tilespmem:$0x1E000] =	vst v63  }
0x1c: {  	_ =	swait.ge [sflag:s15], $0x800  }
0x1d: {  	[sflag:s15] =	ssyncset.done $0x0  }
0x1e: {  	[sflag:s15] =	ssyncadd.s32 $0xFFFFF800  }
0x1f: {  	s23 =	simm.s32 $0x0;
	[bflag:$0x0] =	sbarrier.arrive $0xFFFF  }
0x20: {  	[tilespmem:s18], [sflag:$0x1] =	stream.indirect.gather [hbm4b:s5+s17], $0x80, s4, s17, $0xb8;
	[tilespmem:$0x1E000] =	vst v63  }
.LBB2_2:
0x21: {  	p0 =	seq.s32 s23, $0x2000  }
0x22: {  	s25 =	sadd.s32 @!p0 s23, s13  }
0x23: {  	s24 =	sand.u32 @!p0 $0x800, s23;
	s25 =	sshrl.u32 @!p0 s25, $0x3  }
0x24: {  	s29 =	simm.s32 @!p0 $0x0;
	s26 =	sxor.u32 @!p0 $0x800, s24;
	s28 =	sadd.s32 @!p0 s6, s25  }
0x25: {  	[tilespmem:s26], [sflag:$0x3] =	stream.linear.gather @!p0 [hbm4b:s28+s29], $0x800, $0x38;
	[tilespmem:$0x1E000] =	vst v63  }
0x26: {  	s25 =	sadd.s32 @!p0 s1, s25;
	s26 =	sxor.u32 @!p0 $0x1800, s24  }
0x27: {  	[tilespmem:s26], [sflag:$0x3] =	stream.linear.gather @!p0 [hbm4b:s25+s29], $0x800, $0x38;
	[tilespmem:$0x1E000] =	vst v63  }
0x28: {  	_ =	swait.ge [sflag:s19], $0x4000  }
0x29: {  	s24 =	simm.s32 @p0 $0x0;
	[sflag:s19] =	ssyncset.done $0x0  }
0x2a: {  	s31 =	sor.u32 $0x80, s24;
	[sflag:s19] =	ssyncadd.s32 $0xFFFFC000  }
0x2b: {  	[tilespmem:s20], [sflag:$0x2] =	stream.indirect.gather [hbm4b:s5+s17], $0x80, s31, s17, $0xb8;
	[tilespmem:$0x1E000] =	vst v63  }
0x2c: {  	s26 =	sor.u32 $0x1000, s24  }
0x2d: {  	[spmem:s2] =	stream.indirect.scatter.add.f32 [tilespmem:s18], [sflag:$0x4], $0x80, s26, s17, $0xb8;
	[tilespmem:$0x1E000] =	vst v63  }
0x2e: {  	_ =	swait.ge [sflag:s15], $0x4000  }
0x2f: {  	[sflag:s15] =	ssyncset.done $0x0  }
0x30: {  	[sflag:s15] =	ssyncadd.s32 $0xFFFFC000  }
0x31: {  	_ =	swait.ge [sflag:s21], $0x4000  }
0x32: {  	[sflag:s21] =	ssyncset.done $0x0  }
0x33: {  	s28 =	sadd.s32 $0x100, s24;
	[sflag:s21] =	ssyncadd.s32 $0xFFFFC000  }
0x34: {  	[tilespmem:s18], [sflag:$0x1] =	stream.indirect.gather [hbm4b:s5+s17], $0x80, s28, s17, $0xb8;
	[tilespmem:$0x1E000] =	vst v63  }
0x35: {  	s29 =	sor.u32 $0x1080, s24  }
0x36: {  	[spmem:s2] =	stream.indirect.scatter.add.f32 [tilespmem:s20], [sflag:$0x4], $0x80, s29, s17, $0xb8;
	[tilespmem:$0x1E000] =	vst v63  }
0x37: {  	_ =	swait.ge [sflag:s15], $0x4000  }
0x38: {  	[sflag:s15] =	ssyncset.done $0x0  }
0x39: {  	[sflag:s15] =	ssyncadd.s32 $0xFFFFC000  }
0x3a: {  	_ =	swait.ge [sflag:s19], $0x4000  }
0x3b: {  	[sflag:s19] =	ssyncset.done $0x0  }
0x3c: {  	s30 =	sor.u32 $0x180, s24;
	[sflag:s19] =	ssyncadd.s32 $0xFFFFC000  }
0x3d: {  	[tilespmem:s20], [sflag:$0x2] =	stream.indirect.gather [hbm4b:s5+s17], $0x80, s30, s17, $0xb8;
	[tilespmem:$0x1E000] =	vst v63  }
0x3e: {  	s31 =	sadd.s32 $0x1100, s24  }
0x3f: {  	[spmem:s2] =	stream.indirect.scatter.add.f32 [tilespmem:s18], [sflag:$0x4], $0x80, s31, s17, $0xb8;
	[tilespmem:$0x1E000] =	vst v63  }
0x40: {  	_ =	swait.ge [sflag:s15], $0x4000  }
0x41: {  	[sflag:s15] =	ssyncset.done $0x0  }
0x42: {  	[sflag:s15] =	ssyncadd.s32 $0xFFFFC000  }
0x43: {  	_ =	swait.ge [sflag:s21], $0x4000  }
0x44: {  	[sflag:s21] =	ssyncset.done $0x0  }
0x45: {  	s26 =	sadd.s32 $0x200, s24;
	[sflag:s21] =	ssyncadd.s32 $0xFFFFC000  }
0x46: {  	[tilespmem:s18], [sflag:$0x1] =	stream.indirect.gather [hbm4b:s5+s17], $0x80, s26, s17, $0xb8;
	[tilespmem:$0x1E000] =	vst v63  }
0x47: {  	s28 =	sor.u32 $0x1180, s24  }
0x48: {  	[spmem:s2] =	stream.indirect.scatter.add.f32 [tilespmem:s20], [sflag:$0x4], $0x80, s28, s17, $0xb8;
	[tilespmem:$0x1E000] =	vst v63  }
0x49: {  	_ =	swait.ge [sflag:s15], $0x4000  }
0x4a: {  	[sflag:s15] =	ssyncset.done $0x0  }
0x4b: {  	[sflag:s15] =	ssyncadd.s32 $0xFFFFC000  }
0x4c: {  	_ =	swait.ge [sflag:s19], $0x4000  }
0x4d: {  	[sflag:s19] =	ssyncset.done $0x0  }
0x4e: {  	s29 =	sor.u32 $0x280, s24;
	[sflag:s19] =	ssyncadd.s32 $0xFFFFC000  }
0x4f: {  	[tilespmem:s20], [sflag:$0x2] =	stream.indirect.gather [hbm4b:s5+s17], $0x80, s29, s17, $0xb8;
	[tilespmem:$0x1E000] =	vst v63  }
0x50: {  	s30 =	sadd.s32 $0x1200, s24  }
0x51: {  	[spmem:s2] =	stream.indirect.scatter.add.f32 [tilespmem:s18], [sflag:$0x4], $0x80, s30, s17, $0xb8;
	[tilespmem:$0x1E000] =	vst v63  }
0x52: {  	_ =	swait.ge [sflag:s15], $0x4000  }
0x53: {  	[sflag:s15] =	ssyncset.done $0x0  }
0x54: {  	[sflag:s15] =	ssyncadd.s32 $0xFFFFC000  }
0x55: {  	_ =	swait.ge [sflag:s21], $0x4000  }
0x56: {  	[sflag:s21] =	ssyncset.done $0x0  }
0x57: {  	s31 =	sadd.s32 $0x300, s24;
	[sflag:s21] =	ssyncadd.s32 $0xFFFFC000  }
0x58: {  	[tilespmem:s18], [sflag:$0x1] =	stream.indirect.gather [hbm4b:s5+s17], $0x80, s31, s17, $0xb8;
	[tilespmem:$0x1E000] =	vst v63  }
0x59: {  	s26 =	sor.u32 $0x1280, s24  }
0x5a: {  	[spmem:s2] =	stream.indirect.scatter.add.f32 [tilespmem:s20], [sflag:$0x4], $0x80, s26, s17, $0xb8;
	[tilespmem:$0x1E000] =	vst v63  }
0x5b: {  	_ =	swait.ge [sflag:s15], $0x4000  }
0x5c: {  	[sflag:s15] =	ssyncset.done $0x0  }
0x5d: {  	[sflag:s15] =	ssyncadd.s32 $0xFFFFC000  }
0x5e: {  	_ =	swait.ge [sflag:s19], $0x4000  }
0x5f: {  	[sflag:s19] =	ssyncset.done $0x0  }
0x60: {  	s28 =	sor.u32 $0x380, s24;
	[sflag:s19] =	ssyncadd.s32 $0xFFFFC000  }
0x61: {  	[tilespmem:s20], [sflag:$0x2] =	stream.indirect.gather [hbm4b:s5+s17], $0x80, s28, s17, $0xb8;
	[tilespmem:$0x1E000] =	vst v63  }
0x62: {  	s29 =	sadd.s32 $0x1300, s24  }
0x63: {  	[spmem:s2] =	stream.indirect.scatter.add.f32 [tilespmem:s18], [sflag:$0x4], $0x80, s29, s17, $0xb8;
	[tilespmem:$0x1E000] =	vst v63  }
0x64: {  	_ =	swait.ge [sflag:s15], $0x4000  }
0x65: {  	[sflag:s15] =	ssyncset.done $0x0  }
0x66: {  	[sflag:s15] =	ssyncadd.s32 $0xFFFFC000  }
0x67: {  	_ =	swait.ge [sflag:s21], $0x4000  }
0x68: {  	[sflag:s21] =	ssyncset.done $0x0  }
0x69: {  	s30 =	sadd.s32 $0x400, s24;
	[sflag:s21] =	ssyncadd.s32 $0xFFFFC000  }
0x6a: {  	[tilespmem:s18], [sflag:$0x1] =	stream.indirect.gather [hbm4b:s5+s17], $0x80, s30, s17, $0xb8;
	[tilespmem:$0x1E000] =	vst v63  }
0x6b: {  	s31 =	sor.u32 $0x1380, s24  }
0x6c: {  	[spmem:s2] =	stream.indirect.scatter.add.f32 [tilespmem:s20], [sflag:$0x4], $0x80, s31, s17, $0xb8;
	[tilespmem:$0x1E000] =	vst v63  }
0x6d: {  	_ =	swait.ge [sflag:s15], $0x4000  }
0x6e: {  	[sflag:s15] =	ssyncset.done $0x0  }
0x6f: {  	[sflag:s15] =	ssyncadd.s32 $0xFFFFC000  }
0x70: {  	_ =	swait.ge [sflag:s19], $0x4000  }
0x71: {  	[sflag:s19] =	ssyncset.done $0x0  }
0x72: {  	s26 =	sor.u32 $0x480, s24;
	[sflag:s19] =	ssyncadd.s32 $0xFFFFC000  }
0x73: {  	[tilespmem:s20], [sflag:$0x2] =	stream.indirect.gather [hbm4b:s5+s17], $0x80, s26, s17, $0xb8;
	[tilespmem:$0x1E000] =	vst v63  }
0x74: {  	s28 =	sadd.s32 $0x1400, s24  }
0x75: {  	[spmem:s2] =	stream.indirect.scatter.add.f32 [tilespmem:s18], [sflag:$0x4], $0x80, s28, s17, $0xb8;
	[tilespmem:$0x1E000] =	vst v63  }
0x76: {  	_ =	swait.ge [sflag:s15], $0x4000  }
0x77: {  	[sflag:s15] =	ssyncset.done $0x0  }
0x78: {  	[sflag:s15] =	ssyncadd.s32 $0xFFFFC000  }
0x79: {  	_ =	swait.ge [sflag:s21], $0x4000  }
0x7a: {  	[sflag:s21] =	ssyncset.done $0x0  }
0x7b: {  	s29 =	sadd.s32 $0x500, s24;
	[sflag:s21] =	ssyncadd.s32 $0xFFFFC000  }
0x7c: {  	[tilespmem:s18], [sflag:$0x1] =	stream.indirect.gather [hbm4b:s5+s17], $0x80, s29, s17, $0xb8;
	[tilespmem:$0x1E000] =	vst v63  }
0x7d: {  	s30 =	sor.u32 $0x1480, s24  }
0x7e: {  	[spmem:s2] =	stream.indirect.scatter.add.f32 [tilespmem:s20], [sflag:$0x4], $0x80, s30, s17, $0xb8;
	[tilespmem:$0x1E000] =	vst v63  }
0x7f: {  	_ =	swait.ge [sflag:s15], $0x4000  }
0x80: {  	[sflag:s15] =	ssyncset.done $0x0  }
0x81: {  	[sflag:s15] =	ssyncadd.s32 $0xFFFFC000  }
0x82: {  	_ =	swait.ge [sflag:s19], $0x4000  }
0x83: {  	[sflag:s19] =	ssyncset.done $0x0  }
0x84: {  	s31 =	sor.u32 $0x580, s24;
	[sflag:s19] =	ssyncadd.s32 $0xFFFFC000  }
0x85: {  	[tilespmem:s20], [sflag:$0x2] =	stream.indirect.gather [hbm4b:s5+s17], $0x80, s31, s17, $0xb8;
	[tilespmem:$0x1E000] =	vst v63  }
0x86: {  	s26 =	sadd.s32 $0x1500, s24  }
0x87: {  	[spmem:s2] =	stream.indirect.scatter.add.f32 [tilespmem:s18], [sflag:$0x4], $0x80, s26, s17, $0xb8;
	[tilespmem:$0x1E000] =	vst v63  }
0x88: {  	_ =	swait.ge [sflag:s15], $0x4000  }
0x89: {  	[sflag:s15] =	ssyncset.done $0x0  }
0x8a: {  	[sflag:s15] =	ssyncadd.s32 $0xFFFFC000  }
0x8b: {  	_ =	swait.ge [sflag:s21], $0x4000  }
0x8c: {  	[sflag:s21] =	ssyncset.done $0x0  }
0x8d: {  	s28 =	sadd.s32 $0x600, s24;
	[sflag:s21] =	ssyncadd.s32 $0xFFFFC000  }
0x8e: {  	[tilespmem:s18], [sflag:$0x1] =	stream.indirect.gather [hbm4b:s5+s17], $0x80, s28, s17, $0xb8;
	[tilespmem:$0x1E000] =	vst v63  }
0x8f: {  	s29 =	sor.u32 $0x1580, s24  }
0x90: {  	[spmem:s2] =	stream.indirect.scatter.add.f32 [tilespmem:s20], [sflag:$0x4], $0x80, s29, s17, $0xb8;
	[tilespmem:$0x1E000] =	vst v63  }
0x91: {  	_ =	swait.ge [sflag:s15], $0x4000  }
0x92: {  	[sflag:s15] =	ssyncset.done $0x0  }
0x93: {  	[sflag:s15] =	ssyncadd.s32 $0xFFFFC000  }
0x94: {  	_ =	swait.ge [sflag:s19], $0x4000  }
0x95: {  	[sflag:s19] =	ssyncset.done $0x0  }
0x96: {  	s30 =	sor.u32 $0x680, s24;
	[sflag:s19] =	ssyncadd.s32 $0xFFFFC000  }
0x97: {  	[tilespmem:s20], [sflag:$0x2] =	stream.indirect.gather [hbm4b:s5+s17], $0x80, s30, s17, $0xb8;
	[tilespmem:$0x1E000] =	vst v63  }
0x98: {  	s31 =	sadd.s32 $0x1600, s24  }
0x99: {  	[spmem:s2] =	stream.indirect.scatter.add.f32 [tilespmem:s18], [sflag:$0x4], $0x80, s31, s17, $0xb8;
	[tilespmem:$0x1E000] =	vst v63  }
0x9a: {  	_ =	swait.ge [sflag:s15], $0x4000  }
0x9b: {  	[sflag:s15] =	ssyncset.done $0x0  }
0x9c: {  	[sflag:s15] =	ssyncadd.s32 $0xFFFFC000  }
0x9d: {  	_ =	swait.ge [sflag:s21], $0x4000  }
0x9e: {  	[sflag:s21] =	ssyncset.done $0x0  }
0x9f: {  	s26 =	sadd.s32 $0x700, s24;
	[sflag:s21] =	ssyncadd.s32 $0xFFFFC000  }
0xa0: {  	[tilespmem:s18], [sflag:$0x1] =	stream.indirect.gather [hbm4b:s5+s17], $0x80, s26, s17, $0xb8;
	[tilespmem:$0x1E000] =	vst v63  }
0xa1: {  	s28 =	sor.u32 $0x1680, s24  }
0xa2: {  	[spmem:s2] =	stream.indirect.scatter.add.f32 [tilespmem:s20], [sflag:$0x4], $0x80, s28, s17, $0xb8;
	[tilespmem:$0x1E000] =	vst v63  }
0xa3: {  	_ =	swait.ge [sflag:s15], $0x4000  }
0xa4: {  	[sflag:s15] =	ssyncset.done $0x0  }
0xa5: {  	[sflag:s15] =	ssyncadd.s32 $0xFFFFC000  }
0xa6: {  	_ =	swait.ge [sflag:s19], $0x4000  }
0xa7: {  	[sflag:s19] =	ssyncset.done $0x0  }
0xa8: {  	s29 =	sor.u32 $0x780, s24;
	[sflag:s19] =	ssyncadd.s32 $0xFFFFC000  }
0xa9: {  	[tilespmem:s20], [sflag:$0x2] =	stream.indirect.gather [hbm4b:s5+s17], $0x80, s29, s17, $0xb8;
	[tilespmem:$0x1E000] =	vst v63  }
0xaa: {  	s30 =	sadd.s32 $0x1700, s24  }
0xab: {  	[spmem:s2] =	stream.indirect.scatter.add.f32 [tilespmem:s18], [sflag:$0x4], $0x80, s30, s17, $0xb8;
	[tilespmem:$0x1E000] =	vst v63  }
0xac: {  	_ =	swait.ge [sflag:s15], $0x4000  }
0xad: {  	[sflag:s15] =	ssyncset.done $0x0  }
0xae: {  	[sflag:s15] =	ssyncadd.s32 $0xFFFFC000  }
0xaf: {  	_ =	swait.ge [sflag:s21], $0x4000  }
0xb0: {  	[sflag:s21] =	ssyncset.done $0x0  }
0xb1: {  	s31 =	sor.u32 $0x1780, s24;
	[sflag:s21] =	ssyncadd.s32 $0xFFFFC000  }
0xb2: {  	[spmem:s2] =	stream.indirect.scatter.add.f32 [tilespmem:s20], [sflag:$0x4], $0x80, s31, s17, $0xb8;
	[tilespmem:$0x1E000] =	vst v63  }
0xb3: {  	_ =	swait.ge [sflag:s15], $0x4000  }
0xb4: {  	[sflag:s15] =	ssyncset.done $0x0  }
0xb5: {  	s25 =	simm.s32 @!p0 $0x3;
	[sflag:s15] =	ssyncadd.s32 $0xFFFFC000  }
0xb6: {  	_ =	swait.ge @!p0 [sflag:s25], $0x800  }
0xb7: {  	[sflag:s25] =	ssyncset.done @!p0 $0x0  }
0xb8: {  	[sflag:s25] =	ssyncadd.s32 @!p0 $0xFFFFF800  }
0xb9: {  	s23 =	sadd.s32 @!p0 $0x800, s23;
	_ =	swait.ge @!p0 [sflag:s25], $0x800  }
0xba: {  	p1 =	sne.s32 @!p0 s23, $0x2800;
	s24 =	ssub.s32 @!p0 $0x800, s24;
	[sflag:s25] =	ssyncset.done @!p0 $0x0  }
0xbb: {  	s26 =	simm.s32 @!p0 $0x2000;
	[sflag:s25] =	ssyncadd.s32 @!p0 $0xFFFFF800;
	s25 =	simm.s32 @!p0 $0x80  }
0xbc: {  	[tilespmem:s26], [sflag:$0x1] =	stream.indirect.gather @!p0 [hbm4b:s5+s25], $0x80, s24, s25, $0xb8;
	[tilespmem:$0x1E000] =	vst v63  }
0xbd: {  	p0 =	por p0, !p1  }
.Ltmp0:
0xbe: {  	_ = 	snop;
	(pc) =	sbr.rel @!p0 .LBB2_2-.Ltmp0, $1  }
0xbf: {  	_ =	sdelay $0x3  }
0xc0: {  	s22 =	sadd.s32 $0x1, s22  }
0xc1: {  	p0 =	sne.s32 s22, s12  }
.Ltmp1:
0xc2: {  	[bflag:$0x0] =	sbarrier.arrive $0xFFFF;
	(pc) =	sbr.rel @p0 .LBB2_1-.Ltmp1, $4  }
0xc3: {  	[hbm:s11], [sflag:s8] =	dma.local [spmem:s14], $0x2800  }
0xc4: {  	_ =	swait.ge [sflag:s15], $0x2800  }
0xc5: {  	[sflag:s15] =	ssyncset.done $0x0  }
0xc6: {  	[sflag:s15] =	ssyncadd.s32 $0xFFFFD800  }
0xc7: {  	_ =	sfence.sel $0x180000  }
0xc8: {  	[bflag:$0x0] =	sbarrier.arrive $0xFFFF  }
0xc9: {  	p0 =	sne.s32 s3, $0x0;
	_ =	strace $0x9000004D  }
0xca: {  	s0 =	sadd.s32 @!p0 $0x100000, s0;
	[bflag:$0x2] =	sbarrier.arrive $0xFFFF  }
0xcb: {  	[sflag:s0] =	ssyncadd.tile.s32 @!p0 $0x1;
	_ =	shalt  }
.Lfunc_end2:
_tile_overlayer_lowered:
.L_overlay_start_2:
0xcc: {  	(tag) =	ssettag $0x2  }
0xcd: {  	s0 =	rddreg [dreg:$0x0];
	s2 =	stileid.u32  }
0xce: {  	s1 =	rddreg [dreg:$0x1];
	p0 =	sne.s32 s2, $0x0  }
0xcf: {  	s3 =	rddreg [dreg:$0x2];
	[bflag:$0x3] =	sbarrier.arrive $0xFFFF;
	s2 =	simm.s32 @!p0 $0x1C04  }
0xd0: {  	[timem:s3], [sflag:s2] =	dma.local @!p0 [hbm:s0], s1  }
0xd1: {  	s0 =	simm.s32 @!p0 $0x4  }
0xd2: {  	_ =	swait.ge @!p0 [sflag:s0], s1  }
0xd3: {  	s1 =	ssub.s32 @!p0 $0x0, s1;
	[sflag:s0] =	ssyncset.done @!p0 $0x0  }
0xd4: {  	[sflag:s0] =	ssyncadd.s32 @!p0 s1  }
0xd5: {  	[bflag:$0x3] =	sbarrier.arrive $0xFFFF  }
0xd6: {  	_ =	shalt  }

// kernel: kernel.8.cloned.1.call-start
scs
__scs_entry_jumppad:
0x0: {  	(pc) =	sbr.rel $0x88, $3  }
0x1: {  	(tag) =	ssettag $0x0;
	lr =	simm.s32 $0x1  }
0x2: {  	[smem:$0x3F9B] =	sst lr;
	_ =	strace $0xD0000000  }
0x3: {  	_ = 	snop  }
0x4: {  	_ = 	snop  }
0x5: {  	_ = 	snop  }
0x6: {  	_ = 	snop  }
0x7: {  	_ = 	snop  }
__scs_overlays_trampoline_lowered:
0x8: {  	[smem:$0x3FAA] =	sst s0  }
0x9: {  	[smem:$0x3FAB] =	sst s1  }
0xa: {  	[smem:$0x3FAC] =	sst s2  }
0xb: {  	[smem:$0x3FAD] =	sst s3  }
0xc: {  	[smem:$0x3FAE] =	sst s4  }
0xd: {  	[smem:$0x3FAF] =	sst s5  }
0xe: {  	[smem:$0x3FB0] =	sst s6  }
0xf: {  	[smem:$0x3FB1] =	sst s7  }
0x10: {  	[smem:$0x3FB2] =	sst s8  }
0x11: {  	[smem:$0x3FB3] =	sst s9;
	s0 =	simm.s32 @!p0 $0x0  }
0x12: {  	s1 =	sld [smem:$0x3F99];
	s0 =	simm.s32 @p0 $0x1  }
0x13: {  	[smem:$0x3FB4] =	sst s0;
	s0 =	simm.s32 @!p1 $0x0  }
0x14: {  	s2 =	sld [smem:$0x3F98];
	s0 =	simm.s32 @p1 $0x1  }
0x15: {  	[smem:$0x3FB5] =	sst s0;
	s0 =	simm.s32 @!p2 $0x0  }
0x16: {  	s3 =	sld [smem:$0x3FDB];
	s0 =	simm.s32 @p2 $0x1  }
0x17: {  	s4 =	simm.s32 $0x1BF5;
	[smem:$0x3FB7] =	sst s0  }
0x18: {  	s0 =	sld [smem:$0x3F9A];
	_ =	swait.ge [sflag:s4], $0x0  }
0x19: {  	s7 =	sld [smem:$0x3F9B]  }
0x1a: {  	s8 =	sadd.s32 $0xFFFFE003, lr  }
0x1b: {  	s9 =	sadd.s32 $0xFFFFFEF7, lr;
	s5 =	simm.s32 $0xFFFFFFFF;
	p2 =	slt.u32 s8, $0xFFFFF086  }
0x1c: {  	p1 =	slt.u32 s9, $0xF7A;
	s5 =	simm.s32 @!p2 $0x0  }
0x1d: {  	s5 =	simm.s32 @p1 $0x1;
	p0 =	seq.s32 s7, s2  }
0x1e: {  	s7 =	smul.u32 @!p0 $0xF7A, s2;
	p2 =	seq.s32 @!p0 s5, $0x0  }
0x1f: {  	s9 =	smul.u32 $0xF7A, s1;
	s8 =	simm.s32 @!p0 $0x1BF5;
	p2 =	por !p2, p0  }
0x20: {  	[sflag:s8] =	ssyncset.s32 @!p0 $0xFFFFF086;
	s6 =	sadd.s32 @!p0 s3, s7;
	s7 =	simm.s32 @!p0 $0x108  }
0x21: {  	s3 =	sadd.s32 s3, s9;
	s6 =	sadd.s32 @!p0 $0x88, s6;
	s7 =	simm.s32 @p2 $0x1082  }
0x22: {  	[simem:s7], [sflag:s8] =	dma.local @!p0 [hbm:s6], $0xF7A  }
0x23: {  	s9 =	sor.u32 $0xD0000000, s2;
	s6 =	simm.s32 $0x108;
	_ =	swait.ge @!p0 [sflag:s8], $0x0  }
0x24: {  	s3 =	sadd.s32 $0x88, s3;
	s6 =	simm.s32 @!p1 $0x1082;
	[sflag:s4] =	ssyncset.s32 $0xFFFFF086  }
0x25: {  	[simem:s6], [sflag:s4] =	dma.local [hbm:s3], $0xF7A  }
0x26: {  	[smem:$0x3F9B] =	sst s1;
	(tag) =	ssettag s2;
	_ =	strace s9  }
0x27: {  	s1 =	sld [smem:$0x3FAB]  }
0x28: {  	s2 =	sld [smem:$0x3FAC]  }
0x29: {  	s4 =	sld [smem:$0x3FAE]  }
0x2a: {  	p0 =	seq.s32 s5, $0x0;
	s5 =	sld [smem:$0x3FAF]  }
0x2b: {  	s6 =	sld [smem:$0x3FB0]  }
0x2c: {  	s7 =	sld [smem:$0x3FB1]  }
0x2d: {  	s3 =	simm.s32 $0x108;
	s8 =	sld [smem:$0x3FB2]  }
0x2e: {  	s3 =	simm.s32 @!p0 $0x1082;
	s9 =	sld [smem:$0x3FB3]  }
0x2f: {  	lr =	sadd.s32 s0, s3;
	s0 =	sld [smem:$0x3FAA]  }
0x30: {  	s3 =	sld [smem:$0x3FAD]  }
0x31: {  	[smem:$0x3FB6] =	sst s10  }
0x32: {  	s10 =	sld [smem:$0x3FB4];
	_ =	sdelay $0x3  }
0x33: {  	p0 =	seq.s32 s10, $0x1;
	s10 =	sld [smem:$0x3FB6];
	_ =	sdelay $0x3  }
0x34: {  	[smem:$0x3FB6] =	sst s10  }
0x35: {  	s10 =	sld [smem:$0x3FB5];
	_ =	sdelay $0x3  }
0x36: {  	p1 =	seq.s32 s10, $0x1;
	s10 =	sld [smem:$0x3FB6];
	_ =	sdelay $0x3  }
0x37: {  	[smem:$0x3FB6] =	sst s10  }
0x38: {  	s10 =	sld [smem:$0x3FB7]  }
0x39: {  	_ = 	snop;
	(pc) =	sbr.ind lr, $3  }
0x3a: {  	_ = 	snop  }
0x3b: {  	_ = 	snop  }
0x3c: {  	p2 =	seq.s32 s10, $0x1;
	s10 =	sld [smem:$0x3FB6]  }
0x3d: {  	_ =	shalt  }
0x3e: {  	_ =	shalt  }
0x3f: {  	_ =	shalt  }
0x40: {  	_ =	shalt  }
0x41: {  	_ =	shalt  }
0x42: {  	_ =	shalt  }
0x43: {  	_ =	shalt  }
0x44: {  	_ =	shalt  }
0x45: {  	_ =	shalt  }
0x46: {  	_ =	shalt  }
0x47: {  	_ =	shalt  }
0x48: {  	_ =	shalt  }
0x49: {  	_ =	shalt  }
0x4a: {  	_ =	shalt  }
0x4b: {  	_ =	shalt  }
0x4c: {  	_ =	shalt  }
0x4d: {  	_ =	shalt  }
0x4e: {  	_ =	shalt  }
0x4f: {  	_ =	shalt  }
0x50: {  	_ =	shalt  }
0x51: {  	_ =	shalt  }
0x52: {  	_ =	shalt  }
0x53: {  	_ =	shalt  }
0x54: {  	_ =	shalt  }
0x55: {  	_ =	shalt  }
0x56: {  	_ =	shalt  }
0x57: {  	_ =	shalt  }
0x58: {  	_ =	shalt  }
0x59: {  	_ =	shalt  }
0x5a: {  	_ =	shalt  }
0x5b: {  	_ =	shalt  }
0x5c: {  	_ =	shalt  }
0x5d: {  	_ =	shalt  }
0x5e: {  	_ =	shalt  }
0x5f: {  	_ =	shalt  }
0x60: {  	_ =	shalt  }
0x61: {  	_ =	shalt  }
0x62: {  	_ =	shalt  }
0x63: {  	_ =	shalt  }
0x64: {  	_ =	shalt  }
0x65: {  	_ =	shalt  }
0x66: {  	_ =	shalt  }
0x67: {  	_ =	shalt  }
0x68: {  	_ =	shalt  }
0x69: {  	_ =	shalt  }
0x6a: {  	_ =	shalt  }
0x6b: {  	_ =	shalt  }
0x6c: {  	_ =	shalt  }
0x6d: {  	_ =	shalt  }
0x6e: {  	_ =	shalt  }
0x6f: {  	_ =	shalt  }
0x70: {  	_ =	shalt  }
0x71: {  	_ =	shalt  }
0x72: {  	_ =	shalt  }
0x73: {  	_ =	shalt  }
0x74: {  	_ =	shalt  }
0x75: {  	_ =	shalt  }
0x76: {  	_ =	shalt  }
0x77: {  	_ =	shalt  }
0x78: {  	_ =	shalt  }
0x79: {  	_ =	shalt  }
0x7a: {  	_ =	shalt  }
0x7b: {  	_ =	shalt  }
0x7c: {  	_ =	shalt  }
0x7d: {  	_ =	shalt  }
0x7e: {  	_ =	shalt  }
0x7f: {  	_ =	shalt  }
0x80: {  	_ =	shalt  }
0x81: {  	_ =	shalt  }
0x82: {  	_ =	shalt  }
0x83: {  	_ =	shalt  }
0x84: {  	_ =	shalt  }
0x85: {  	_ =	shalt  }
0x86: {  	_ =	shalt  }
0x87: {  	_ =	shalt  }
.Lfunc_end0:
.L_simem_size_0:
called_computation_lowered:
.L_overlay_start_0:
0x88: {  	s2 =	sld [smem:$0x3FD9]  }
0x89: {  	s3 =	sld [smem:$0x3FFE];
	_ =	sdelay $0x1  }
0x8a: {  	s1 =	srdreg.scid  }
0x8b: {  	s0 =	sand.u32 $0x1, s1  }
0x8c: {  	s17 =	sshll.u32 s0, $0xA;
	s2 =	sadd.s32 s3, s2  }
0x8d: {  	s2 =	sadd.s32 s2, s17  }
0x8e: {  	[smem:$0x3FC2] =	sst s2  }
0x8f: {  	_ = 	snop  }
0x90: {  	s2 =	sld [smem:$0x3FD0];
	(tm) =	ssettm $0x1  }
0x91: {  	s18 =	sld [smem:$0x3FFB];
	_ =	sdelay $0x3  }
0x92: {  	_ =	strace s18  }
0x93: {  	s3 =	sld [smem:$0x3FFC];
	_ =	sdelay $0x3  }
0x94: {  	_ =	strace s3  }
0x95: {  	s3 =	sld [smem:$0x3FFD];
	_ =	sdelay $0x3  }
0x96: {  	_ =	strace s3  }
0x97: {  	_ =	strace $0x8FFFFFFF  }
0x98: {  	s19 =	sld [smem:$0x3FDB];
	_ =	sdelay $0x1  }
0x99: {  	s4 =	simm.s32 $_scs_section_size  }
0x9a: {  	s5 =	simm.s32 $_size__tile_overlayer_lowered;
	s6 =	simm.s32 $_tile_overlayer_lowered  }
0x9b: {  	s22 =	simm.s32 $0x1BFF;
	s21 =	sshll.u32 s6, $0x1;
	s3 =	sadd.s32 s4, s19  }
0x9c: {  	s7 =	simm.s32 $0x0;
	s20 =	sshll.u32 s5, $0x1;
	s5 =	sadd.s32 s21, s3  }
0x9d: {  	[timem:s7], [sflag:s22] =	dma.local [hbm:s5], s20  }
0x9e: {  	_ =	swait.ge [sflag:s22], s20  }
0x9f: {  	s4 =	ssub.s32 $0x0, s20;
	[sflag:s22] =	ssyncset.done $0x0  }
0xa0: {  	[sflag:s22] =	ssyncadd.s32 s4;
	_ =	sdelay $0x1  }
0xa1: {  	s23 =	simm.s32 $0x1B8B  }
0xa2: {  	_ =	swait.ge [sflag:s23], $0x1  }
0xa3: {  	[sflag:s23] =	ssyncset.done $0x0  }
0xa4: {  	s25 =	simm.s32 $0x1B8E;
	s24 =	sld [smem:$0x3FFE];
	[sflag:s23] =	ssyncadd.s32 $0xFFFFFFFF  }
0xa5: {  	s26 =	simm.s32 $execute0_lowered;
	[smem:$0x3FD2] =	sst s25  }
0xa6: {  	s5 =	sshll.u32 s26, $0x1;
	_ =	strace $0x80000046;
	[dreg:$0x1] =	wrdreg $0xFFFFFFFF  }
0xa7: {  	s28 =	simm.s32 $_size_execute0_lowered;
	s3 =	sadd.s32 s3, s5;
	[dreg:$0x0] =	wrdreg $0x0  }
0xa8: {  	s5 =	sshll.u32 s28, $0x1;
	[dreg:$0x2] =	wrdreg s3  }
0xa9: {  	[dreg:$0x3] =	wrdreg s5  }
0xaa: {  	[dreg:$0x4] =	wrdreg $0xC0  }
0xab: {  	_ =	task [dreg:s7], $0x5FFFF  }
0xac: {  	[dreg:$0x1] =	wrdreg $0xFFFFFFFF  }
0xad: {  	[dreg:$0x0] =	wrdreg $0x60  }
0xae: {  	[dreg:$0x2] =	wrdreg s24  }
0xaf: {  	[dreg:$0x3] =	wrdreg s2  }
0xb0: {  	[dreg:$0x4] =	wrdreg $0x9  }
0xb1: {  	_ =	task.clear_ibuf [dreg:s7], $0x5FFFF;
	_ =	strace $0x90000046  }
0xb2: {  	s29 =	simm.s32 $0x9;
	_ =	strace $0x80000048  }
0xb3: {  	_ =	swait.ge [sflag:s29], $0x1  }
0xb4: {  	[sflag:s29] =	ssyncadd.s32 $0xFFFFFFFF  }
0xb5: {  	_ =	strace $0x90000048  }
0xb6: {  	_ =	sfence  }
0xb7: {  	s30 =	sld [smem:$0x0];
	_ =	sdelay $0x2  }
0xb8: {  	s31 =	sshll.u32 s1, $0xD;
	s1 =	sshrl.u32 s1, $0x2  }
0xb9: {  	s3 =	sand.u32 $0x4000, s31;
	s1 =	sadd.s32 s1, s30  }
0xba: {  	s0 =	sor.u32 s3, s0;
	s1 =	sshll.u32 s1, $0x11  }
0xbb: {  	s0 =	sor.u32 s1, s0  }
0xbc: {  	s0 =	sadd.s32 $0x8F2B, s0  }
0xbd: {  	[sflag:s0] =	ssyncadd.remote.s32 $0x1  }
0xbe: {  	_ =	sfence.sel $0xFFFF  }
0xbf: {  	[dreg:$0x0] =	wrdreg $0xFFFFFFFF;
	(pc) =	sbr.abs _section_cstart, $3  }
0xc0: {  	[dreg:$0x1] =	wrdreg $0xFFFFFFFF  }
0xc1: {  	_ =	task.clear_ibuf [dreg:s7], $0x2FFFF;
	_ =	strace $0x9FFFFFFF  }
0xc2: {  	(tm) =	ssettm $0x7FFFFFFF  }
0xc3: {  	_ =	shalt  }
tec
execute0_lowered:
.L_overlay_start_1:
0x0: {  	(tag) =	ssettag $0x1  }
0x1: {  	s1 =	srdreg.scid;
	s3 =	rddreg [dreg:$0x0]  }
0x2: {  	s0 =	stileid.u32;
	s5 =	rddreg [dreg:$0x1]  }
0x3: {  	s2 =	simm.s32 $0x0;
	s10 =	simm.s32 $0x5000;
	s11 =	simm.s32 $0x7800  }
0x4: {  	s12 =	simm.s32 $0x80;
	s13 =	simm.s32 $0x400;
	s14 =	simm.s32 $0x0  }
0x5: {  	s4 =	sand.u32 $0x1, s1;
	s7 =	sshrl.u32 s0, $0x3;
	s1 =	rddreg [dreg:$0x2]  }
0x6: {  	[smem:$0x7FF] =	sst s2;
	s9 =	sshll.u32 s0, $0x7;
	s6 =	smul.u32 $0x28000, s4  }
0x7: {  	s7 =	smul.u32 $0x14000, s7;
	s8 =	sshll.u32 s4, $0x4;
	s29 =	sand.u32 $0x380, s9  }
0x8: {  	s4 =	ssub.s32 $0x2, s4;
	_ =	strace $0x80000047;
	s8 =	sor.u32 s0, s8  }
0x9: {  	s30 =	sshrl.u32 s4, $0x1;
	s6 =	sadd.s32 s6, s7;
	s8 =	smul.u32 $0x500, s8  }
0xa: {  	s9 =	simm.s32 $0x2800;
	s7 =	ssub.s32 s4, s30;
	s6 =	sor.u32 s29, s6  }
0xb: {  	s7 =	smax.u32 s7, $0x1;
	s6 =	sshrl.u32 s6, $0x3;
	s31 =	sadd.s32 s8, s3  }
0xc: {  	s4 =	sadd.s32 s5, s8;
	s8 =	simm.s32 $0x1;
	s6 =	sadd.s32 s6, s3  }
0xd: {  	v0 =	vimm.f32 $0.0e+00;
	v1 =	vimm.f32 $1.000000000e+00;
	s3 =	sadd.s32 $0x2600, s31;
	s5 =	sadd.s32 $0xC600, s6;
	s6 =	sadd.s32 $0x16600, s6  }
.LBB2_1:
0xe: {  	[tilespmem:s2], [sflag:$0x1] =	stream.linear.gather [hbm4b:s3+s2], $0x2800, $0x38;
	[tilespmem:$0xA000] =	vst v63  }
0xf: {  	_ =	swait.ge [sflag:s8], $0x2800  }
0x10: {  	[sflag:s8] =	ssyncset.done $0x0  }
0x11: {  	[sflag:s8] =	ssyncadd.s32 $0xFFFFD800  }
0x12: {  	[tilespmem:s9], [sflag:$0x1] =	stream.linear.gather [hbm4b:s4+s2], $0x2800, $0x38;
	[tilespmem:$0xA000] =	vst v63  }
0x13: {  	_ =	swait.ge [sflag:s8], $0x2800  }
0x14: {  	[sflag:s8] =	ssyncset.done $0x0  }
0x15: {  	s15 =	simm.s32 $0x0;
	[sflag:s8] =	ssyncadd.s32 $0xFFFFD800  }
.LBB2_2:
0x16: {  	p0 =	sne.s32 s15, $0x9FC0  }
.Ltmp0:
0x17: {  	_ = 	snop;
	(pc) =	sbr.rel @p0 .LBB2_2-.Ltmp0, $4  }
0x18: {  	_ = 	snop  }
0x19: {  	s16 =	sshra.s32 s15, $0x2  }
0x1a: {  	[tilespmem:s16+$0x5000] =	vst v0  }
0x1b: {  	s15 =	sadd.s32 $0x40, s15;
	[tilespmem:s16+$0x7800] =	vst v0  }
0x1c: {  	s15 =	simm.s32 $0x0  }
.LBB2_4:
0x1d: {  	s16 =	sshra.s32 s15, $0x2  }
0x1e: {  	v2 =	vld [tilespmem:s16+$0x0];
	_ =	sdelay $0x7  }
0x1f: {  	[tilespmem:v2+s10+$0x0] =	vst.idx.add.f32.msk $0xffff, v1  }
0x20: {  	v2 =	vld [tilespmem:s16+$0x2800];
	_ =	sdelay $0x7  }
0x21: {  	[tilespmem:v2+s11+$0x0] =	vst.idx.add.f32.msk $0xffff, v1  }
0x22: {  	v2 =	vld [tilespmem:s16+$0x10];
	_ =	sdelay $0x7  }
0x23: {  	[tilespmem:v2+s10+$0x0] =	vst.idx.add.f32.msk $0xffff, v1  }
0x24: {  	v2 =	vld [tilespmem:s16+$0x2810];
	_ =	sdelay $0x7  }
0x25: {  	[tilespmem:v2+s11+$0x0] =	vst.idx.add.f32.msk $0xffff, v1  }
0x26: {  	v2 =	vld [tilespmem:s16+$0x20];
	_ =	sdelay $0x7  }
0x27: {  	[tilespmem:v2+s10+$0x0] =	vst.idx.add.f32.msk $0xffff, v1  }
0x28: {  	v2 =	vld [tilespmem:s16+$0x2820];
	_ =	sdelay $0x7  }
0x29: {  	[tilespmem:v2+s11+$0x0] =	vst.idx.add.f32.msk $0xffff, v1  }
0x2a: {  	v2 =	vld [tilespmem:s16+$0x30];
	_ =	sdelay $0x7  }
0x2b: {  	[tilespmem:v2+s10+$0x0] =	vst.idx.add.f32.msk $0xffff, v1  }
0x2c: {  	v2 =	vld [tilespmem:s16+$0x2830];
	_ =	sdelay $0x7  }
0x2d: {  	[tilespmem:v2+s11+$0x0] =	vst.idx.add.f32.msk $0xffff, v1  }
0x2e: {  	v2 =	vld [tilespmem:s16+$0x40];
	_ =	sdelay $0x7  }
0x2f: {  	[tilespmem:v2+s10+$0x0] =	vst.idx.add.f32.msk $0xffff, v1  }
0x30: {  	v2 =	vld [tilespmem:s16+$0x2840];
	_ =	sdelay $0x7  }
0x31: {  	[tilespmem:v2+s11+$0x0] =	vst.idx.add.f32.msk $0xffff, v1  }
0x32: {  	v2 =	vld [tilespmem:s16+$0x50];
	_ =	sdelay $0x7  }
0x33: {  	[tilespmem:v2+s10+$0x0] =	vst.idx.add.f32.msk $0xffff, v1  }
0x34: {  	v2 =	vld [tilespmem:s16+$0x2850];
	_ =	sdelay $0x7  }
0x35: {  	[tilespmem:v2+s11+$0x0] =	vst.idx.add.f32.msk $0xffff, v1  }
0x36: {  	v2 =	vld [tilespmem:s16+$0x60];
	_ =	sdelay $0x7  }
0x37: {  	[tilespmem:v2+s10+$0x0] =	vst.idx.add.f32.msk $0xffff, v1  }
0x38: {  	v2 =	vld [tilespmem:s16+$0x2860];
	_ =	sdelay $0x7  }
0x39: {  	[tilespmem:v2+s11+$0x0] =	vst.idx.add.f32.msk $0xffff, v1  }
0x3a: {  	v2 =	vld [tilespmem:s16+$0x70];
	_ =	sdelay $0x7  }
0x3b: {  	[tilespmem:v2+s10+$0x0] =	vst.idx.add.f32.msk $0xffff, v1  }
0x3c: {  	v2 =	vld [tilespmem:s16+$0x2870];
	_ =	sdelay $0x2  }
0x3d: {  	p0 =	sne.s32 s15, $0x9E00  }
.Ltmp1:
0x3e: {  	_ = 	snop;
	(pc) =	sbr.rel @p0 .LBB2_4-.Ltmp1, $2  }
0x3f: {  	_ =	sdelay $0x2  }
0x40: {  	s15 =	sadd.s32 $0x200, s15;
	[tilespmem:v2+s11+$0x0] =	vst.idx.add.f32.msk $0xffff, v1  }
0x41: {  	[hbm4b:s5+s12] =	stream.strided.scatter [tilespmem:s10], [sflag:$0x1], $0x2800, s13, s12, $0x38;
	[tilespmem:$0xA000] =	vst v63  }
0x42: {  	s14 =	sadd.s32 $0x1, s14;
	_ =	swait.ge [sflag:s8], $0x2800  }
0x43: {  	p0 =	sne.s32 s14, s7;
	[sflag:s8] =	ssyncset.done $0x0  }
.Ltmp2:
0x44: {  	[sflag:s8] =	ssyncadd.s32 $0xFFFFD800;
	(pc) =	sbr.rel @p0 .LBB2_1-.Ltmp2, $4  }
0x45: {  	[hbm4b:s6+s12] =	stream.strided.scatter [tilespmem:s11], [sflag:$0x1], $0x2800, s13, s12, $0x38;
	[tilespmem:$0xA000] =	vst v63  }
0x46: {  	_ =	swait.ge [sflag:s8], $0x2800  }
0x47: {  	[sflag:s8] =	ssyncset.done $0x0  }
0x48: {  	[sflag:s8] =	ssyncadd.s32 $0xFFFFD800  }
0x49: {  	_ =	sfence.sel $0x180000  }
0x4a: {  	[bflag:$0x0] =	sbarrier.arrive $0xFFFF  }
0x4b: {  	p0 =	sne.s32 s0, $0x0;
	_ =	strace $0x90000047  }
0x4c: {  	s0 =	sadd.s32 @!p0 $0x100000, s1;
	[bflag:$0x2] =	sbarrier.arrive $0xFFFF  }
0x4d: {  	[sflag:s0] =	ssyncadd.tile.s32 @!p0 $0x1;
	_ =	shalt  }
.Lfunc_end2:
_tile_overlayer_lowered:
.L_overlay_start_2:
0x4e: {  	(tag) =	ssettag $0x2  }
0x4f: {  	s0 =	rddreg [dreg:$0x0];
	s2 =	stileid.u32  }
0x50: {  	s1 =	rddreg [dreg:$0x1];
	p0 =	sne.s32 s2, $0x0  }
0x51: {  	s3 =	rddreg [dreg:$0x2];
	[bflag:$0x3] =	sbarrier.arrive $0xFFFF;
	s2 =	simm.s32 @!p0 $0x1C01  }
0x52: {  	[timem:s3], [sflag:s2] =	dma.local @!p0 [hbm:s0], s1  }
0x53: {  	s0 =	simm.s32 @!p0 $0x1  }
0x54: {  	_ =	swait.ge @!p0 [sflag:s0], s1  }
0x55: {  	s1 =	ssub.s32 @!p0 $0x0, s1;
	[sflag:s0] =	ssyncset.done @!p0 $0x0  }
0x56: {  	[sflag:s0] =	ssyncadd.s32 @!p0 s1  }
0x57: {  	[bflag:$0x3] =	sbarrier.arrive $0xFFFF  }
0x58: {  	_ =	shalt  }

</sc_bundles>
